<compile_context>
chip_gen: v7x
topology: tpu7x:2x2x1
jax: 0.10.2.dev20260603
libtpu: 0.0.44.dev20260713+nightly
codegen_flags: <defaults>
</compile_context>

<pallas_src>
import functools

import jax
import jax.numpy as jnp
from jax import lax
from jax.experimental import pallas as pl
from jax.experimental.pallas import tpu as pltpu
from jax.experimental.pallas import tpu_sc as plsc

WORD_SIZE = 100000
EMBED = 64
BATCH = 16384

NUM_CORES = 2
NUM_SUBCORES = 16
NUM_WORKERS = NUM_CORES * NUM_SUBCORES
FEATS_PER_W = EMBED // NUM_WORKERS
LANES = 16
OUT_CHUNK = 4096
N_CHUNKS = BATCH // OUT_CHUNK

_mesh = plsc.VectorSubcoreMesh(core_axis_name="c", subcore_axis_name="s")


@functools.partial(
    pl.kernel,
    mesh=_mesh,
    out_type=jax.ShapeDtypeStruct((EMBED, BATCH), jnp.float32),
    scratch_types=[
        pltpu.VMEM((WORD_SIZE,), jnp.float32),
        pltpu.VMEM((BATCH,), jnp.int32),
        pltpu.VMEM((OUT_CHUNK,), jnp.float32),
        pltpu.VMEM((OUT_CHUNK,), jnp.float32),
        pltpu.SemaphoreType.DMA,
        pltpu.SemaphoreType.DMA,
        pltpu.SemaphoreType.DMA,
        pltpu.SemaphoreType.DMA,
    ],
    compiler_params=pltpu.CompilerParams(
        use_tc_tiling_on_sc=True, needs_layout_passes=False
    ),
)
def _embed_gather(
    tab_t_hbm, idx_hbm, out_t_hbm, row_v, idx_v, out_a, out_b, sem_i, sem_r, sem_a, sem_b
):
    wid = lax.axis_index("s") * NUM_CORES + lax.axis_index("c")
    f0 = wid * FEATS_PER_W
    out_bufs = [out_a, out_b]
    out_sems = [sem_a, sem_b]

    idx_cp = pltpu.async_copy(idx_hbm, idx_v, sem_i)
    row_cp = pltpu.async_copy(tab_t_hbm.at[f0], row_v, sem_r)
    idx_cp.wait()

    flushes = {}
    for f in range(FEATS_PER_W):
        row_cp.wait()
        for c in range(N_CHUNKS):
            buf = out_bufs[c % 2]
            base = c * OUT_CHUNK
            prior = flushes.pop(c % 2, None)
            if prior is not None:
                prior.wait()

            @plsc.parallel_loop(0, OUT_CHUNK, step=LANES, unroll=8)
            def _body(j):
                iv = idx_v[pl.ds(base + j, LANES)]
                buf[pl.ds(j, LANES)] = plsc.load_gather(row_v, [iv])

            if f + 1 < FEATS_PER_W and c == N_CHUNKS - 1:
                row_cp = pltpu.async_copy(tab_t_hbm.at[f0 + f + 1], row_v, sem_r)
            flushes[c % 2] = pltpu.async_copy(
                buf, out_t_hbm.at[f0 + f, pl.ds(base, OUT_CHUNK)], out_sems[c % 2]
            )
    for cp in flushes.values():
        cp.wait()


def kernel(inputs, table):
    idx = inputs.reshape(BATCH).astype(jnp.int32)
    out_t = _embed_gather(table.T, idx)
    return out_t.T

# --- scband reference (transcript-rebuilt; emitter-appended) ---
"""Pipeline reference for scband-word2-vec-4818953306506 (READ-ONLY COPY).

The authoritative reference and input builder live on the scoring server;
editing this copy changes nothing except your own understanding.
"""

import jax, jax.numpy as jnp
import numpy as np

WORD_SIZE = 100000
EMBED_SIZE = 64
BATCH = 16384

def setup_inputs(seed: int = 0) -> dict:
    key = jax.random.key(seed)
    k1, k2 = jax.random.split(key)
    inputs = jax.random.randint(k1, (BATCH, 1), 0, WORD_SIZE, dtype=jnp.int64 if jax.config.jax_enable_x64 else jnp.int32)
    # Embedding table (he_uniform-like init scale)
    limit = np.sqrt(6.0 / WORD_SIZE)
    table = jax.random.uniform(k2, (WORD_SIZE, EMBED_SIZE), dtype=jnp.float32, minval=-limit, maxval=limit)
    return {"inputs": inputs, "table": table}

def reference(inputs, table):
    # Word2Vec.call: embed = tf.squeeze(self.embedding(inputs))
    embed = jnp.take(table, inputs, axis=0)  # [B, 1, E]
    return jnp.squeeze(embed)  # [B, E]

if __name__ == "__main__":
    import jax
    _d = setup_inputs()
    print(jax.jit(kernel)(*tuple(_d.values())))

</pallas_src>

<mosaic_0001>
#map = affine_map<(d0, d1) -> (0, 0)>
#map1 = affine_map<(d0, d1) -> (0)>
module attributes {stable_mosaic.version = 14 : i64} {
  func.func @_embed_gather(%arg0: i32, %arg1: i32, %arg2: memref<64x100000xf32, #tpu.memory_space<hbm>>, %arg3: memref<16384xi32, #tpu.memory_space<hbm>>, %arg4: memref<64x16384xf32, #tpu.memory_space<hbm>>, %arg5: memref<100000xf32, #tpu.memory_space<vmem>>, %arg6: memref<16384xi32, #tpu.memory_space<vmem>>, %arg7: memref<4096xf32, #tpu.memory_space<vmem>>, %arg8: memref<4096xf32, #tpu.memory_space<vmem>>, %arg9: memref<!tpu.dma_semaphore, #tpu.memory_space<semaphore_mem>>, %arg10: memref<!tpu.dma_semaphore, #tpu.memory_space<semaphore_mem>>, %arg11: memref<!tpu.dma_semaphore, #tpu.memory_space<semaphore_mem>>, %arg12: memref<!tpu.dma_semaphore, #tpu.memory_space<semaphore_mem>>) attributes {dimension_semantics = [#tpu.dimension_semantics<core_parallel>, #tpu.dimension_semantics<subcore_parallel>], iteration_bounds = array<i64: 2, 16>, scalar_prefetch = 0 : i64, scratch_operands = 8 : i64, tpu.core_type = #tpu.core_type<sc_vector_subcore>, window_params = [{transform_indices = #map}, {transform_indices = #map1}, {transform_indices = #map}]} {
    %mul3A = arith.constant 2 : i32
    %mul3A_0 = arith.muli %arg1, %mul3A : i32
    %add3A = arith.addi %mul3A_0, %arg0 : i32
    %mul3A_1 = arith.constant 2 : i32
    %mul3A_2 = arith.muli %add3A, %mul3A_1 : i32
    tpu.enqueue_dma source(%arg3 : memref<16384xi32, #tpu.memory_space<hbm>>) target(%arg6 : memref<16384xi32, #tpu.memory_space<vmem>>) target_semaphore(%arg9 : memref<!tpu.dma_semaphore, #tpu.memory_space<semaphore_mem>>)
    %dma_start3A = arith.constant 0 : i32
    %dma_start3A_3 = tpu.memref_slice %arg2[%mul3A_2, %dma_start3A] : memref<64x100000xf32, #tpu.memory_space<hbm>> -> memref<1x100000xf32, #tpu.memory_space<hbm>>
    %dma_start3A_4 = tpu.memref_squeeze %dma_start3A_3 : memref<1x100000xf32, #tpu.memory_space<hbm>> -> memref<100000xf32, #tpu.memory_space<hbm>>
    %dma_start3A_5 = arith.constant 0 : i32
    %dma_start3A_6 = tpu.memref_slice %arg2[%mul3A_2, %dma_start3A_5] : memref<64x100000xf32, #tpu.memory_space<hbm>> -> memref<1x100000xf32, #tpu.memory_space<hbm>>
    %dma_start3A_7 = tpu.memref_squeeze %dma_start3A_6 : memref<1x100000xf32, #tpu.memory_space<hbm>> -> memref<100000xf32, #tpu.memory_space<hbm>>
    tpu.enqueue_dma source(%dma_start3A_7 : memref<100000xf32, #tpu.memory_space<hbm>>) target(%arg5 : memref<100000xf32, #tpu.memory_space<vmem>>) target_semaphore(%arg10 : memref<!tpu.dma_semaphore, #tpu.memory_space<semaphore_mem>>)
    tpu.wait_dma2 semaphore(%arg9 : memref<!tpu.dma_semaphore, #tpu.memory_space<semaphore_mem>>) src(%arg3 : memref<16384xi32, #tpu.memory_space<hbm>>) dst(%arg6 : memref<16384xi32, #tpu.memory_space<vmem>>)
    %dma_wait3A = arith.constant 0 : i32
    %dma_wait3A_8 = tpu.memref_slice %arg2[%mul3A_2, %dma_wait3A] : memref<64x100000xf32, #tpu.memory_space<hbm>> -> memref<1x100000xf32, #tpu.memory_space<hbm>>
    %dma_wait3A_9 = tpu.memref_squeeze %dma_wait3A_8 : memref<1x100000xf32, #tpu.memory_space<hbm>> -> memref<100000xf32, #tpu.memory_space<hbm>>
    %dma_wait3A_10 = arith.constant 0 : i32
    %dma_wait3A_11 = tpu.memref_slice %arg2[%mul3A_2, %dma_wait3A_10] : memref<64x100000xf32, #tpu.memory_space<hbm>> -> memref<1x100000xf32, #tpu.memory_space<hbm>>
    %dma_wait3A_12 = tpu.memref_squeeze %dma_wait3A_11 : memref<1x100000xf32, #tpu.memory_space<hbm>> -> memref<100000xf32, #tpu.memory_space<hbm>>
    tpu.wait_dma2 semaphore(%arg10 : memref<!tpu.dma_semaphore, #tpu.memory_space<semaphore_mem>>) src(%dma_wait3A_12 : memref<100000xf32, #tpu.memory_space<hbm>>) dst(%arg5 : memref<100000xf32, #tpu.memory_space<vmem>>)
    %parallel_loop3A = arith.constant 0 : i32
    %parallel_loop3A_13 = arith.constant 4096 : i32
    %parallel_loop3A_14 = arith.constant 16 : i32
    scf.for %parallel_loop3A_164 = %parallel_loop3A to %parallel_loop3A_13 step %parallel_loop3A_14  : i32 {
      %parallel_loop3A_165 = arith.constant 0 : i32
      %parallel_loop3A_166 = arith.addi %parallel_loop3A_165, %parallel_loop3A_164 : i32
      %parallel_loop3A_167 = arith.index_cast %parallel_loop3A_166 : i32 to index
      %parallel_loop3A_168 = tpu.vector_load %arg6[%parallel_loop3A_167] {strides = array<i32>} : memref<16384xi32, #tpu.memory_space<vmem>>, vector<16xi32>,
      %parallel_loop3A_169 = tpu.vector_load_idx %arg5[%parallel_loop3A_168] : memref<100000xf32, #tpu.memory_space<vmem>>[vector<16xi32>], vector<16xf32>,
      %parallel_loop3A_170 = arith.index_cast %parallel_loop3A_164 : i32 to index
      %parallel_loop3A_171 = tpu.vector_load %arg7[%parallel_loop3A_170] {strides = array<i32>} : memref<4096xf32, #tpu.memory_space<vmem>>, vector<16xf32>,
      tpu.vector_store %arg7[%parallel_loop3A_170], %parallel_loop3A_169 {strides = array<i32>} : memref<4096xf32, #tpu.memory_space<vmem>>, vector<16xf32>,
    } {sc.loop_unroll_factor = 8 : i64, sc.parallel_access}
    %add3A_15 = arith.constant 0 : i32
    %add3A_16 = arith.addi %mul3A_2, %add3A_15 : i32
    %dma_start3A_17 = arith.constant 0 : i32
    %dma_start3A_18 = tpu.memref_slice %arg4[%add3A_16, %dma_start3A_17] : memref<64x16384xf32, #tpu.memory_space<hbm>> -> memref<1x4096xf32, #tpu.memory_space<hbm>>
    %dma_start3A_19 = tpu.memref_squeeze %dma_start3A_18 : memref<1x4096xf32, #tpu.memory_space<hbm>> -> memref<4096xf32, #tpu.memory_space<hbm>>
    %dma_start3A_20 = arith.constant 0 : i32
    %dma_start3A_21 = tpu.memref_slice %arg4[%add3A_16, %dma_start3A_20] : memref<64x16384xf32, #tpu.memory_space<hbm>> -> memref<1x4096xf32, #tpu.memory_space<hbm>>
    %dma_start3A_22 = tpu.memref_squeeze %dma_start3A_21 : memref<1x4096xf32, #tpu.memory_space<hbm>> -> memref<4096xf32, #tpu.memory_space<hbm>>
    tpu.enqueue_dma source(%arg7 : memref<4096xf32, #tpu.memory_space<vmem>>) target(%dma_start3A_22 : memref<4096xf32, #tpu.memory_space<hbm>>) target_semaphore(%arg11 : memref<!tpu.dma_semaphore, #tpu.memory_space<semaphore_mem>>)
    %parallel_loop3A_23 = arith.constant 0 : i32
    %parallel_loop3A_24 = arith.constant 4096 : i32
    %parallel_loop3A_25 = arith.constant 16 : i32
    scf.for %parallel_loop3A_164 = %parallel_loop3A_23 to %parallel_loop3A_24 step %parallel_loop3A_25  : i32 {
      %parallel_loop3A_165 = arith.constant 4096 : i32
      %parallel_loop3A_166 = arith.addi %parallel_loop3A_165, %parallel_loop3A_164 : i32
      %parallel_loop3A_167 = arith.index_cast %parallel_loop3A_166 : i32 to index
      %parallel_loop3A_168 = tpu.vector_load %arg6[%parallel_loop3A_167] {strides = array<i32>} : memref<16384xi32, #tpu.memory_space<vmem>>, vector<16xi32>,
      %parallel_loop3A_169 = tpu.vector_load_idx %arg5[%parallel_loop3A_168] : memref<100000xf32, #tpu.memory_space<vmem>>[vector<16xi32>], vector<16xf32>,
      %parallel_loop3A_170 = arith.index_cast %parallel_loop3A_164 : i32 to index
      %parallel_loop3A_171 = tpu.vector_load %arg8[%parallel_loop3A_170] {strides = array<i32>} : memref<4096xf32, #tpu.memory_space<vmem>>, vector<16xf32>,
      tpu.vector_store %arg8[%parallel_loop3A_170], %parallel_loop3A_169 {strides = array<i32>} : memref<4096xf32, #tpu.memory_space<vmem>>, vector<16xf32>,
    } {sc.loop_unroll_factor = 8 : i64, sc.parallel_access}
    %add3A_26 = arith.constant 0 : i32
    %add3A_27 = arith.addi %mul3A_2, %add3A_26 : i32
    %dma_start3A_28 = arith.constant 4096 : i32
    %dma_start3A_29 = tpu.memref_slice %arg4[%add3A_27, %dma_start3A_28] : memref<64x16384xf32, #tpu.memory_space<hbm>> -> memref<1x4096xf32, #tpu.memory_space<hbm>>
    %dma_start3A_30 = tpu.memref_squeeze %dma_start3A_29 : memref<1x4096xf32, #tpu.memory_space<hbm>> -> memref<4096xf32, #tpu.memory_space<hbm>>
    %dma_start3A_31 = arith.constant 4096 : i32
    %dma_start3A_32 = tpu.memref_slice %arg4[%add3A_27, %dma_start3A_31] : memref<64x16384xf32, #tpu.memory_space<hbm>> -> memref<1x4096xf32, #tpu.memory_space<hbm>>
    %dma_start3A_33 = tpu.memref_squeeze %dma_start3A_32 : memref<1x4096xf32, #tpu.memory_space<hbm>> -> memref<4096xf32, #tpu.memory_space<hbm>>
    tpu.enqueue_dma source(%arg8 : memref<4096xf32, #tpu.memory_space<vmem>>) target(%dma_start3A_33 : memref<4096xf32, #tpu.memory_space<hbm>>) target_semaphore(%arg12 : memref<!tpu.dma_semaphore, #tpu.memory_space<semaphore_mem>>)
    %dma_wait3A_34 = arith.constant 0 : i32
    %dma_wait3A_35 = tpu.memref_slice %arg4[%add3A_16, %dma_wait3A_34] : memref<64x16384xf32, #tpu.memory_space<hbm>> -> memref<1x4096xf32, #tpu.memory_space<hbm>>
    %dma_wait3A_36 = tpu.memref_squeeze %dma_wait3A_35 : memref<1x4096xf32, #tpu.memory_space<hbm>> -> memref<4096xf32, #tpu.memory_space<hbm>>
    %dma_wait3A_37 = arith.constant 0 : i32
    %dma_wait3A_38 = tpu.memref_slice %arg4[%add3A_16, %dma_wait3A_37] : memref<64x16384xf32, #tpu.memory_space<hbm>> -> memref<1x4096xf32, #tpu.memory_space<hbm>>
    %dma_wait3A_39 = tpu.memref_squeeze %dma_wait3A_38 : memref<1x4096xf32, #tpu.memory_space<hbm>> -> memref<4096xf32, #tpu.memory_space<hbm>>
    tpu.wait_dma2 semaphore(%arg11 : memref<!tpu.dma_semaphore, #tpu.memory_space<semaphore_mem>>) src(%arg7 : memref<4096xf32, #tpu.memory_space<vmem>>) dst(%dma_wait3A_39 : memref<4096xf32, #tpu.memory_space<hbm>>)
    %parallel_loop3A_40 = arith.constant 0 : i32
    %parallel_loop3A_41 = arith.constant 4096 : i32
    %parallel_loop3A_42 = arith.constant 16 : i32
    scf.for %parallel_loop3A_164 = %parallel_loop3A_40 to %parallel_loop3A_41 step %parallel_loop3A_42  : i32 {
      %parallel_loop3A_165 = arith.constant 8192 : i32
      %parallel_loop3A_166 = arith.addi %parallel_loop3A_165, %parallel_loop3A_164 : i32
      %parallel_loop3A_167 = arith.index_cast %parallel_loop3A_166 : i32 to index
      %parallel_loop3A_168 = tpu.vector_load %arg6[%parallel_loop3A_167] {strides = array<i32>} : memref<16384xi32, #tpu.memory_space<vmem>>, vector<16xi32>,
      %parallel_loop3A_169 = tpu.vector_load_idx %arg5[%parallel_loop3A_168] : memref<100000xf32, #tpu.memory_space<vmem>>[vector<16xi32>], vector<16xf32>,
      %parallel_loop3A_170 = arith.index_cast %parallel_loop3A_164 : i32 to index
      %parallel_loop3A_171 = tpu.vector_load %arg7[%parallel_loop3A_170] {strides = array<i32>} : memref<4096xf32, #tpu.memory_space<vmem>>, vector<16xf32>,
      tpu.vector_store %arg7[%parallel_loop3A_170], %parallel_loop3A_169 {strides = array<i32>} : memref<4096xf32, #tpu.memory_space<vmem>>, vector<16xf32>,
    } {sc.loop_unroll_factor = 8 : i64, sc.parallel_access}
    %add3A_43 = arith.constant 0 : i32
    %add3A_44 = arith.addi %mul3A_2, %add3A_43 : i32
    %dma_start3A_45 = arith.constant 8192 : i32
    %dma_start3A_46 = tpu.memref_slice %arg4[%add3A_44, %dma_start3A_45] : memref<64x16384xf32, #tpu.memory_space<hbm>> -> memref<1x4096xf32, #tpu.memory_space<hbm>>
    %dma_start3A_47 = tpu.memref_squeeze %dma_start3A_46 : memref<1x4096xf32, #tpu.memory_space<hbm>> -> memref<4096xf32, #tpu.memory_space<hbm>>
    %dma_start3A_48 = arith.constant 8192 : i32
    %dma_start3A_49 = tpu.memref_slice %arg4[%add3A_44, %dma_start3A_48] : memref<64x16384xf32, #tpu.memory_space<hbm>> -> memref<1x4096xf32, #tpu.memory_space<hbm>>
    %dma_start3A_50 = tpu.memref_squeeze %dma_start3A_49 : memref<1x4096xf32, #tpu.memory_space<hbm>> -> memref<4096xf32, #tpu.memory_space<hbm>>
    tpu.enqueue_dma source(%arg7 : memref<4096xf32, #tpu.memory_space<vmem>>) target(%dma_start3A_50 : memref<4096xf32, #tpu.memory_space<hbm>>) target_semaphore(%arg11 : memref<!tpu.dma_semaphore, #tpu.memory_space<semaphore_mem>>)
    %dma_wait3A_51 = arith.constant 4096 : i32
    %dma_wait3A_52 = tpu.memref_slice %arg4[%add3A_27, %dma_wait3A_51] : memref<64x16384xf32, #tpu.memory_space<hbm>> -> memref<1x4096xf32, #tpu.memory_space<hbm>>
    %dma_wait3A_53 = tpu.memref_squeeze %dma_wait3A_52 : memref<1x4096xf32, #tpu.memory_space<hbm>> -> memref<4096xf32, #tpu.memory_space<hbm>>
    %dma_wait3A_54 = arith.constant 4096 : i32
    %dma_wait3A_55 = tpu.memref_slice %arg4[%add3A_27, %dma_wait3A_54] : memref<64x16384xf32, #tpu.memory_space<hbm>> -> memref<1x4096xf32, #tpu.memory_space<hbm>>
    %dma_wait3A_56 = tpu.memref_squeeze %dma_wait3A_55 : memref<1x4096xf32, #tpu.memory_space<hbm>> -> memref<4096xf32, #tpu.memory_space<hbm>>
    tpu.wait_dma2 semaphore(%arg12 : memref<!tpu.dma_semaphore, #tpu.memory_space<semaphore_mem>>) src(%arg8 : memref<4096xf32, #tpu.memory_space<vmem>>) dst(%dma_wait3A_56 : memref<4096xf32, #tpu.memory_space<hbm>>)
    %parallel_loop3A_57 = arith.constant 0 : i32
    %parallel_loop3A_58 = arith.constant 4096 : i32
    %parallel_loop3A_59 = arith.constant 16 : i32
    scf.for %parallel_loop3A_164 = %parallel_loop3A_57 to %parallel_loop3A_58 step %parallel_loop3A_59  : i32 {
      %parallel_loop3A_165 = arith.constant 12288 : i32
      %parallel_loop3A_166 = arith.addi %parallel_loop3A_165, %parallel_loop3A_164 : i32
      %parallel_loop3A_167 = arith.index_cast %parallel_loop3A_166 : i32 to index
      %parallel_loop3A_168 = tpu.vector_load %arg6[%parallel_loop3A_167] {strides = array<i32>} : memref<16384xi32, #tpu.memory_space<vmem>>, vector<16xi32>,
      %parallel_loop3A_169 = tpu.vector_load_idx %arg5[%parallel_loop3A_168] : memref<100000xf32, #tpu.memory_space<vmem>>[vector<16xi32>], vector<16xf32>,
      %parallel_loop3A_170 = arith.index_cast %parallel_loop3A_164 : i32 to index
      %parallel_loop3A_171 = tpu.vector_load %arg8[%parallel_loop3A_170] {strides = array<i32>} : memref<4096xf32, #tpu.memory_space<vmem>>, vector<16xf32>,
      tpu.vector_store %arg8[%parallel_loop3A_170], %parallel_loop3A_169 {strides = array<i32>} : memref<4096xf32, #tpu.memory_space<vmem>>, vector<16xf32>,
    } {sc.loop_unroll_factor = 8 : i64, sc.parallel_access}
    %add3A_60 = arith.constant 0 : i32
    %add3A_61 = arith.addi %mul3A_2, %add3A_60 : i32
    %add3A_62 = arith.constant 1 : i32
    %add3A_63 = arith.addi %add3A_61, %add3A_62 : i32
    %dma_start3A_64 = arith.constant 0 : i32
    %dma_start3A_65 = tpu.memref_slice %arg2[%add3A_63, %dma_start3A_64] : memref<64x100000xf32, #tpu.memory_space<hbm>> -> memref<1x100000xf32, #tpu.memory_space<hbm>>
    %dma_start3A_66 = tpu.memref_squeeze %dma_start3A_65 : memref<1x100000xf32, #tpu.memory_space<hbm>> -> memref<100000xf32, #tpu.memory_space<hbm>>
    %dma_start3A_67 = arith.constant 0 : i32
    %dma_start3A_68 = tpu.memref_slice %arg2[%add3A_63, %dma_start3A_67] : memref<64x100000xf32, #tpu.memory_space<hbm>> -> memref<1x100000xf32, #tpu.memory_space<hbm>>
    %dma_start3A_69 = tpu.memref_squeeze %dma_start3A_68 : memref<1x100000xf32, #tpu.memory_space<hbm>> -> memref<100000xf32, #tpu.memory_space<hbm>>
    tpu.enqueue_dma source(%dma_start3A_69 : memref<100000xf32, #tpu.memory_space<hbm>>) target(%arg5 : memref<100000xf32, #tpu.memory_space<vmem>>) target_semaphore(%arg10 : memref<!tpu.dma_semaphore, #tpu.memory_space<semaphore_mem>>)
    %add3A_70 = arith.constant 0 : i32
    %add3A_71 = arith.addi %mul3A_2, %add3A_70 : i32
    %dma_start3A_72 = arith.constant 12288 : i32
    %dma_start3A_73 = tpu.memref_slice %arg4[%add3A_71, %dma_start3A_72] : memref<64x16384xf32, #tpu.memory_space<hbm>> -> memref<1x4096xf32, #tpu.memory_space<hbm>>
    %dma_start3A_74 = tpu.memref_squeeze %dma_start3A_73 : memref<1x4096xf32, #tpu.memory_space<hbm>> -> memref<4096xf32, #tpu.memory_space<hbm>>
    %dma_start3A_75 = arith.constant 12288 : i32
    %dma_start3A_76 = tpu.memref_slice %arg4[%add3A_71, %dma_start3A_75] : memref<64x16384xf32, #tpu.memory_space<hbm>> -> memref<1x4096xf32, #tpu.memory_space<hbm>>
    %dma_start3A_77 = tpu.memref_squeeze %dma_start3A_76 : memref<1x4096xf32, #tpu.memory_space<hbm>> -> memref<4096xf32, #tpu.memory_space<hbm>>
    tpu.enqueue_dma source(%arg8 : memref<4096xf32, #tpu.memory_space<vmem>>) target(%dma_start3A_77 : memref<4096xf32, #tpu.memory_space<hbm>>) target_semaphore(%arg12 : memref<!tpu.dma_semaphore, #tpu.memory_space<semaphore_mem>>)
    %dma_wait3A_78 = arith.constant 0 : i32
    %dma_wait3A_79 = tpu.memref_slice %arg2[%add3A_63, %dma_wait3A_78] : memref<64x100000xf32, #tpu.memory_space<hbm>> -> memref<1x100000xf32, #tpu.memory_space<hbm>>
    %dma_wait3A_80 = tpu.memref_squeeze %dma_wait3A_79 : memref<1x100000xf32, #tpu.memory_space<hbm>> -> memref<100000xf32, #tpu.memory_space<hbm>>
    %dma_wait3A_81 = arith.constant 0 : i32
    %dma_wait3A_82 = tpu.memref_slice %arg2[%add3A_63, %dma_wait3A_81] : memref<64x100000xf32, #tpu.memory_space<hbm>> -> memref<1x100000xf32, #tpu.memory_space<hbm>>
    %dma_wait3A_83 = tpu.memref_squeeze %dma_wait3A_82 : memref<1x100000xf32, #tpu.memory_space<hbm>> -> memref<100000xf32, #tpu.memory_space<hbm>>
    tpu.wait_dma2 semaphore(%arg10 : memref<!tpu.dma_semaphore, #tpu.memory_space<semaphore_mem>>) src(%dma_wait3A_83 : memref<100000xf32, #tpu.memory_space<hbm>>) dst(%arg5 : memref<100000xf32, #tpu.memory_space<vmem>>)
    %dma_wait3A_84 = arith.constant 8192 : i32
    %dma_wait3A_85 = tpu.memref_slice %arg4[%add3A_44, %dma_wait3A_84] : memref<64x16384xf32, #tpu.memory_space<hbm>> -> memref<1x4096xf32, #tpu.memory_space<hbm>>
    %dma_wait3A_86 = tpu.memref_squeeze %dma_wait3A_85 : memref<1x4096xf32, #tpu.memory_space<hbm>> -> memref<4096xf32, #tpu.memory_space<hbm>>
    %dma_wait3A_87 = arith.constant 8192 : i32
    %dma_wait3A_88 = tpu.memref_slice %arg4[%add3A_44, %dma_wait3A_87] : memref<64x16384xf32, #tpu.memory_space<hbm>> -> memref<1x4096xf32, #tpu.memory_space<hbm>>
    %dma_wait3A_89 = tpu.memref_squeeze %dma_wait3A_88 : memref<1x4096xf32, #tpu.memory_space<hbm>> -> memref<4096xf32, #tpu.memory_space<hbm>>
    tpu.wait_dma2 semaphore(%arg11 : memref<!tpu.dma_semaphore, #tpu.memory_space<semaphore_mem>>) src(%arg7 : memref<4096xf32, #tpu.memory_space<vmem>>) dst(%dma_wait3A_89 : memref<4096xf32, #tpu.memory_space<hbm>>)
    %parallel_loop3A_90 = arith.constant 0 : i32
    %parallel_loop3A_91 = arith.constant 4096 : i32
    %parallel_loop3A_92 = arith.constant 16 : i32
    scf.for %parallel_loop3A_164 = %parallel_loop3A_90 to %parallel_loop3A_91 step %parallel_loop3A_92  : i32 {
      %parallel_loop3A_165 = arith.constant 0 : i32
      %parallel_loop3A_166 = arith.addi %parallel_loop3A_165, %parallel_loop3A_164 : i32
      %parallel_loop3A_167 = arith.index_cast %parallel_loop3A_166 : i32 to index
      %parallel_loop3A_168 = tpu.vector_load %arg6[%parallel_loop3A_167] {strides = array<i32>} : memref<16384xi32, #tpu.memory_space<vmem>>, vector<16xi32>,
      %parallel_loop3A_169 = tpu.vector_load_idx %arg5[%parallel_loop3A_168] : memref<100000xf32, #tpu.memory_space<vmem>>[vector<16xi32>], vector<16xf32>,
      %parallel_loop3A_170 = arith.index_cast %parallel_loop3A_164 : i32 to index
      %parallel_loop3A_171 = tpu.vector_load %arg7[%parallel_loop3A_170] {strides = array<i32>} : memref<4096xf32, #tpu.memory_space<vmem>>, vector<16xf32>,
      tpu.vector_store %arg7[%parallel_loop3A_170], %parallel_loop3A_169 {strides = array<i32>} : memref<4096xf32, #tpu.memory_space<vmem>>, vector<16xf32>,
    } {sc.loop_unroll_factor = 8 : i64, sc.parallel_access}
    %add3A_93 = arith.constant 1 : i32
    %add3A_94 = arith.addi %mul3A_2, %add3A_93 : i32
    %dma_start3A_95 = arith.constant 0 : i32
    %dma_start3A_96 = tpu.memref_slice %arg4[%add3A_94, %dma_start3A_95] : memref<64x16384xf32, #tpu.memory_space<hbm>> -> memref<1x4096xf32, #tpu.memory_space<hbm>>
    %dma_start3A_97 = tpu.memref_squeeze %dma_start3A_96 : memref<1x4096xf32, #tpu.memory_space<hbm>> -> memref<4096xf32, #tpu.memory_space<hbm>>
    %dma_start3A_98 = arith.constant 0 : i32
    %dma_start3A_99 = tpu.memref_slice %arg4[%add3A_94, %dma_start3A_98] : memref<64x16384xf32, #tpu.memory_space<hbm>> -> memref<1x4096xf32, #tpu.memory_space<hbm>>
    %dma_start3A_100 = tpu.memref_squeeze %dma_start3A_99 : memref<1x4096xf32, #tpu.memory_space<hbm>> -> memref<4096xf32, #tpu.memory_space<hbm>>
    tpu.enqueue_dma source(%arg7 : memref<4096xf32, #tpu.memory_space<vmem>>) target(%dma_start3A_100 : memref<4096xf32, #tpu.memory_space<hbm>>) target_semaphore(%arg11 : memref<!tpu.dma_semaphore, #tpu.memory_space<semaphore_mem>>)
    %dma_wait3A_101 = arith.constant 12288 : i32
    %dma_wait3A_102 = tpu.memref_slice %arg4[%add3A_71, %dma_wait3A_101] : memref<64x16384xf32, #tpu.memory_space<hbm>> -> memref<1x4096xf32, #tpu.memory_space<hbm>>
    %dma_wait3A_103 = tpu.memref_squeeze %dma_wait3A_102 : memref<1x4096xf32, #tpu.memory_space<hbm>> -> memref<4096xf32, #tpu.memory_space<hbm>>
    %dma_wait3A_104 = arith.constant 12288 : i32
    %dma_wait3A_105 = tpu.memref_slice %arg4[%add3A_71, %dma_wait3A_104] : memref<64x16384xf32, #tpu.memory_space<hbm>> -> memref<1x4096xf32, #tpu.memory_space<hbm>>
    %dma_wait3A_106 = tpu.memref_squeeze %dma_wait3A_105 : memref<1x4096xf32, #tpu.memory_space<hbm>> -> memref<4096xf32, #tpu.memory_space<hbm>>
    tpu.wait_dma2 semaphore(%arg12 : memref<!tpu.dma_semaphore, #tpu.memory_space<semaphore_mem>>) src(%arg8 : memref<4096xf32, #tpu.memory_space<vmem>>) dst(%dma_wait3A_106 : memref<4096xf32, #tpu.memory_space<hbm>>)
    %parallel_loop3A_107 = arith.constant 0 : i32
    %parallel_loop3A_108 = arith.constant 4096 : i32
    %parallel_loop3A_109 = arith.constant 16 : i32
    scf.for %parallel_loop3A_164 = %parallel_loop3A_107 to %parallel_loop3A_108 step %parallel_loop3A_109  : i32 {
      %parallel_loop3A_165 = arith.constant 4096 : i32
      %parallel_loop3A_166 = arith.addi %parallel_loop3A_165, %parallel_loop3A_164 : i32
      %parallel_loop3A_167 = arith.index_cast %parallel_loop3A_166 : i32 to index
      %parallel_loop3A_168 = tpu.vector_load %arg6[%parallel_loop3A_167] {strides = array<i32>} : memref<16384xi32, #tpu.memory_space<vmem>>, vector<16xi32>,
      %parallel_loop3A_169 = tpu.vector_load_idx %arg5[%parallel_loop3A_168] : memref<100000xf32, #tpu.memory_space<vmem>>[vector<16xi32>], vector<16xf32>,
      %parallel_loop3A_170 = arith.index_cast %parallel_loop3A_164 : i32 to index
      %parallel_loop3A_171 = tpu.vector_load %arg8[%parallel_loop3A_170] {strides = array<i32>} : memref<4096xf32, #tpu.memory_space<vmem>>, vector<16xf32>,
      tpu.vector_store %arg8[%parallel_loop3A_170], %parallel_loop3A_169 {strides = array<i32>} : memref<4096xf32, #tpu.memory_space<vmem>>, vector<16xf32>,
    } {sc.loop_unroll_factor = 8 : i64, sc.parallel_access}
    %add3A_110 = arith.constant 1 : i32
    %add3A_111 = arith.addi %mul3A_2, %add3A_110 : i32
    %dma_start3A_112 = arith.constant 4096 : i32
    %dma_start3A_113 = tpu.memref_slice %arg4[%add3A_111, %dma_start3A_112] : memref<64x16384xf32, #tpu.memory_space<hbm>> -> memref<1x4096xf32, #tpu.memory_space<hbm>>
    %dma_start3A_114 = tpu.memref_squeeze %dma_start3A_113 : memref<1x4096xf32, #tpu.memory_space<hbm>> -> memref<4096xf32, #tpu.memory_space<hbm>>
    %dma_start3A_115 = arith.constant 4096 : i32
    %dma_start3A_116 = tpu.memref_slice %arg4[%add3A_111, %dma_start3A_115] : memref<64x16384xf32, #tpu.memory_space<hbm>> -> memref<1x4096xf32, #tpu.memory_space<hbm>>
    %dma_start3A_117 = tpu.memref_squeeze %dma_start3A_116 : memref<1x4096xf32, #tpu.memory_space<hbm>> -> memref<4096xf32, #tpu.memory_space<hbm>>
    tpu.enqueue_dma source(%arg8 : memref<4096xf32, #tpu.memory_space<vmem>>) target(%dma_start3A_117 : memref<4096xf32, #tpu.memory_space<hbm>>) target_semaphore(%arg12 : memref<!tpu.dma_semaphore, #tpu.memory_space<semaphore_mem>>)
    %dma_wait3A_118 = arith.constant 0 : i32
    %dma_wait3A_119 = tpu.memref_slice %arg4[%add3A_94, %dma_wait3A_118] : memref<64x16384xf32, #tpu.memory_space<hbm>> -> memref<1x4096xf32, #tpu.memory_space<hbm>>
    %dma_wait3A_120 = tpu.memref_squeeze %dma_wait3A_119 : memref<1x4096xf32, #tpu.memory_space<hbm>> -> memref<4096xf32, #tpu.memory_space<hbm>>
    %dma_wait3A_121 = arith.constant 0 : i32
    %dma_wait3A_122 = tpu.memref_slice %arg4[%add3A_94, %dma_wait3A_121] : memref<64x16384xf32, #tpu.memory_space<hbm>> -> memref<1x4096xf32, #tpu.memory_space<hbm>>
    %dma_wait3A_123 = tpu.memref_squeeze %dma_wait3A_122 : memref<1x4096xf32, #tpu.memory_space<hbm>> -> memref<4096xf32, #tpu.memory_space<hbm>>
    tpu.wait_dma2 semaphore(%arg11 : memref<!tpu.dma_semaphore, #tpu.memory_space<semaphore_mem>>) src(%arg7 : memref<4096xf32, #tpu.memory_space<vmem>>) dst(%dma_wait3A_123 : memref<4096xf32, #tpu.memory_space<hbm>>)
    %parallel_loop3A_124 = arith.constant 0 : i32
    %parallel_loop3A_125 = arith.constant 4096 : i32
    %parallel_loop3A_126 = arith.constant 16 : i32
    scf.for %parallel_loop3A_164 = %parallel_loop3A_124 to %parallel_loop3A_125 step %parallel_loop3A_126  : i32 {
      %parallel_loop3A_165 = arith.constant 8192 : i32
      %parallel_loop3A_166 = arith.addi %parallel_loop3A_165, %parallel_loop3A_164 : i32
      %parallel_loop3A_167 = arith.index_cast %parallel_loop3A_166 : i32 to index
      %parallel_loop3A_168 = tpu.vector_load %arg6[%parallel_loop3A_167] {strides = array<i32>} : memref<16384xi32, #tpu.memory_space<vmem>>, vector<16xi32>,
      %parallel_loop3A_169 = tpu.vector_load_idx %arg5[%parallel_loop3A_168] : memref<100000xf32, #tpu.memory_space<vmem>>[vector<16xi32>], vector<16xf32>,
      %parallel_loop3A_170 = arith.index_cast %parallel_loop3A_164 : i32 to index
      %parallel_loop3A_171 = tpu.vector_load %arg7[%parallel_loop3A_170] {strides = array<i32>} : memref<4096xf32, #tpu.memory_space<vmem>>, vector<16xf32>,
      tpu.vector_store %arg7[%parallel_loop3A_170], %parallel_loop3A_169 {strides = array<i32>} : memref<4096xf32, #tpu.memory_space<vmem>>, vector<16xf32>,
    } {sc.loop_unroll_factor = 8 : i64, sc.parallel_access}
    %add3A_127 = arith.constant 1 : i32
    %add3A_128 = arith.addi %mul3A_2, %add3A_127 : i32
    %dma_start3A_129 = arith.constant 8192 : i32
    %dma_start3A_130 = tpu.memref_slice %arg4[%add3A_128, %dma_start3A_129] : memref<64x16384xf32, #tpu.memory_space<hbm>> -> memref<1x4096xf32, #tpu.memory_space<hbm>>
    %dma_start3A_131 = tpu.memref_squeeze %dma_start3A_130 : memref<1x4096xf32, #tpu.memory_space<hbm>> -> memref<4096xf32, #tpu.memory_space<hbm>>
    %dma_start3A_132 = arith.constant 8192 : i32
    %dma_start3A_133 = tpu.memref_slice %arg4[%add3A_128, %dma_start3A_132] : memref<64x16384xf32, #tpu.memory_space<hbm>> -> memref<1x4096xf32, #tpu.memory_space<hbm>>
    %dma_start3A_134 = tpu.memref_squeeze %dma_start3A_133 : memref<1x4096xf32, #tpu.memory_space<hbm>> -> memref<4096xf32, #tpu.memory_space<hbm>>
    tpu.enqueue_dma source(%arg7 : memref<4096xf32, #tpu.memory_space<vmem>>) target(%dma_start3A_134 : memref<4096xf32, #tpu.memory_space<hbm>>) target_semaphore(%arg11 : memref<!tpu.dma_semaphore, #tpu.memory_space<semaphore_mem>>)
    %dma_wait3A_135 = arith.constant 4096 : i32
    %dma_wait3A_136 = tpu.memref_slice %arg4[%add3A_111, %dma_wait3A_135] : memref<64x16384xf32, #tpu.memory_space<hbm>> -> memref<1x4096xf32, #tpu.memory_space<hbm>>
    %dma_wait3A_137 = tpu.memref_squeeze %dma_wait3A_136 : memref<1x4096xf32, #tpu.memory_space<hbm>> -> memref<4096xf32, #tpu.memory_space<hbm>>
    %dma_wait3A_138 = arith.constant 4096 : i32
    %dma_wait3A_139 = tpu.memref_slice %arg4[%add3A_111, %dma_wait3A_138] : memref<64x16384xf32, #tpu.memory_space<hbm>> -> memref<1x4096xf32, #tpu.memory_space<hbm>>
    %dma_wait3A_140 = tpu.memref_squeeze %dma_wait3A_139 : memref<1x4096xf32, #tpu.memory_space<hbm>> -> memref<4096xf32, #tpu.memory_space<hbm>>
    tpu.wait_dma2 semaphore(%arg12 : memref<!tpu.dma_semaphore, #tpu.memory_space<semaphore_mem>>) src(%arg8 : memref<4096xf32, #tpu.memory_space<vmem>>) dst(%dma_wait3A_140 : memref<4096xf32, #tpu.memory_space<hbm>>)
    %parallel_loop3A_141 = arith.constant 0 : i32
    %parallel_loop3A_142 = arith.constant 4096 : i32
    %parallel_loop3A_143 = arith.constant 16 : i32
    scf.for %parallel_loop3A_164 = %parallel_loop3A_141 to %parallel_loop3A_142 step %parallel_loop3A_143  : i32 {
      %parallel_loop3A_165 = arith.constant 12288 : i32
      %parallel_loop3A_166 = arith.addi %parallel_loop3A_165, %parallel_loop3A_164 : i32
      %parallel_loop3A_167 = arith.index_cast %parallel_loop3A_166 : i32 to index
      %parallel_loop3A_168 = tpu.vector_load %arg6[%parallel_loop3A_167] {strides = array<i32>} : memref<16384xi32, #tpu.memory_space<vmem>>, vector<16xi32>,
      %parallel_loop3A_169 = tpu.vector_load_idx %arg5[%parallel_loop3A_168] : memref<100000xf32, #tpu.memory_space<vmem>>[vector<16xi32>], vector<16xf32>,
      %parallel_loop3A_170 = arith.index_cast %parallel_loop3A_164 : i32 to index
      %parallel_loop3A_171 = tpu.vector_load %arg8[%parallel_loop3A_170] {strides = array<i32>} : memref<4096xf32, #tpu.memory_space<vmem>>, vector<16xf32>,
      tpu.vector_store %arg8[%parallel_loop3A_170], %parallel_loop3A_169 {strides = array<i32>} : memref<4096xf32, #tpu.memory_space<vmem>>, vector<16xf32>,
    } {sc.loop_unroll_factor = 8 : i64, sc.parallel_access}
    %add3A_144 = arith.constant 1 : i32
    %add3A_145 = arith.addi %mul3A_2, %add3A_144 : i32
    %dma_start3A_146 = arith.constant 12288 : i32
    %dma_start3A_147 = tpu.memref_slice %arg4[%add3A_145, %dma_start3A_146] : memref<64x16384xf32, #tpu.memory_space<hbm>> -> memref<1x4096xf32, #tpu.memory_space<hbm>>
    %dma_start3A_148 = tpu.memref_squeeze %dma_start3A_147 : memref<1x4096xf32, #tpu.memory_space<hbm>> -> memref<4096xf32, #tpu.memory_space<hbm>>
    %dma_start3A_149 = arith.constant 12288 : i32
    %dma_start3A_150 = tpu.memref_slice %arg4[%add3A_145, %dma_start3A_149] : memref<64x16384xf32, #tpu.memory_space<hbm>> -> memref<1x4096xf32, #tpu.memory_space<hbm>>
    %dma_start3A_151 = tpu.memref_squeeze %dma_start3A_150 : memref<1x4096xf32, #tpu.memory_space<hbm>> -> memref<4096xf32, #tpu.memory_space<hbm>>
    tpu.enqueue_dma source(%arg8 : memref<4096xf32, #tpu.memory_space<vmem>>) target(%dma_start3A_151 : memref<4096xf32, #tpu.memory_space<hbm>>) target_semaphore(%arg12 : memref<!tpu.dma_semaphore, #tpu.memory_space<semaphore_mem>>)
    %dma_wait3A_152 = arith.constant 8192 : i32
    %dma_wait3A_153 = tpu.memref_slice %arg4[%add3A_128, %dma_wait3A_152] : memref<64x16384xf32, #tpu.memory_space<hbm>> -> memref<1x4096xf32, #tpu.memory_space<hbm>>
    %dma_wait3A_154 = tpu.memref_squeeze %dma_wait3A_153 : memref<1x4096xf32, #tpu.memory_space<hbm>> -> memref<4096xf32, #tpu.memory_space<hbm>>
    %dma_wait3A_155 = arith.constant 8192 : i32
    %dma_wait3A_156 = tpu.memref_slice %arg4[%add3A_128, %dma_wait3A_155] : memref<64x16384xf32, #tpu.memory_space<hbm>> -> memref<1x4096xf32, #tpu.memory_space<hbm>>
    %dma_wait3A_157 = tpu.memref_squeeze %dma_wait3A_156 : memref<1x4096xf32, #tpu.memory_space<hbm>> -> memref<4096xf32, #tpu.memory_space<hbm>>
    tpu.wait_dma2 semaphore(%arg11 : memref<!tpu.dma_semaphore, #tpu.memory_space<semaphore_mem>>) src(%arg7 : memref<4096xf32, #tpu.memory_space<vmem>>) dst(%dma_wait3A_157 : memref<4096xf32, #tpu.memory_space<hbm>>)
    %dma_wait3A_158 = arith.constant 12288 : i32
    %dma_wait3A_159 = tpu.memref_slice %arg4[%add3A_145, %dma_wait3A_158] : memref<64x16384xf32, #tpu.memory_space<hbm>> -> memref<1x4096xf32, #tpu.memory_space<hbm>>
    %dma_wait3A_160 = tpu.memref_squeeze %dma_wait3A_159 : memref<1x4096xf32, #tpu.memory_space<hbm>> -> memref<4096xf32, #tpu.memory_space<hbm>>
    %dma_wait3A_161 = arith.constant 12288 : i32
    %dma_wait3A_162 = tpu.memref_slice %arg4[%add3A_145, %dma_wait3A_161] : memref<64x16384xf32, #tpu.memory_space<hbm>> -> memref<1x4096xf32, #tpu.memory_space<hbm>>
    %dma_wait3A_163 = tpu.memref_squeeze %dma_wait3A_162 : memref<1x4096xf32, #tpu.memory_space<hbm>> -> memref<4096xf32, #tpu.memory_space<hbm>>
    tpu.wait_dma2 semaphore(%arg12 : memref<!tpu.dma_semaphore, #tpu.memory_space<semaphore_mem>>) src(%arg8 : memref<4096xf32, #tpu.memory_space<vmem>>) dst(%dma_wait3A_163 : memref<4096xf32, #tpu.memory_space<hbm>>)
    return
  }
}

</mosaic_0001>

<sc_bundles>
// kernel: kernel.3.cloned.1.call-start
scs
__scs_entry_jumppad:
0x0: {  	(pc) =	sbr.rel $0x88, $3  }
0x1: {  	(tag) =	ssettag $0x0;
	lr =	simm.s32 $0x1  }
0x2: {  	[smem:$0x3F9F] =	sst lr;
	_ =	strace $0xD0000000  }
0x3: {  	_ = 	snop  }
0x4: {  	_ = 	snop  }
0x5: {  	_ = 	snop  }
0x6: {  	_ = 	snop  }
0x7: {  	_ = 	snop  }
__scs_overlays_trampoline_lowered:
0x8: {  	[smem:$0x3FAE] =	sst s0  }
0x9: {  	[smem:$0x3FAF] =	sst s1  }
0xa: {  	[smem:$0x3FB0] =	sst s2  }
0xb: {  	[smem:$0x3FB1] =	sst s3  }
0xc: {  	[smem:$0x3FB2] =	sst s4  }
0xd: {  	[smem:$0x3FB3] =	sst s5  }
0xe: {  	[smem:$0x3FB4] =	sst s6  }
0xf: {  	[smem:$0x3FB5] =	sst s7  }
0x10: {  	[smem:$0x3FB6] =	sst s8  }
0x11: {  	[smem:$0x3FB7] =	sst s9;
	s0 =	simm.s32 @!p0 $0x0  }
0x12: {  	s1 =	sld [smem:$0x3F9D];
	s0 =	simm.s32 @p0 $0x1  }
0x13: {  	[smem:$0x3FB8] =	sst s0;
	s0 =	simm.s32 @!p1 $0x0  }
0x14: {  	s2 =	sld [smem:$0x3F9C];
	s0 =	simm.s32 @p1 $0x1  }
0x15: {  	[smem:$0x3FB9] =	sst s0;
	s0 =	simm.s32 @!p2 $0x0  }
0x16: {  	s3 =	sld [smem:$0x3FDB];
	s0 =	simm.s32 @p2 $0x1  }
0x17: {  	s4 =	simm.s32 $0x1BF5;
	[smem:$0x3FBB] =	sst s0  }
0x18: {  	s0 =	sld [smem:$0x3F9E];
	_ =	swait.ge [sflag:s4], $0x0  }
0x19: {  	s7 =	sld [smem:$0x3F9F]  }
0x1a: {  	s8 =	sadd.s32 $0xFFFFE003, lr  }
0x1b: {  	s9 =	sadd.s32 $0xFFFFFEF7, lr;
	s5 =	simm.s32 $0xFFFFFFFF;
	p2 =	slt.u32 s8, $0xFFFFF086  }
0x1c: {  	p1 =	slt.u32 s9, $0xF7A;
	s5 =	simm.s32 @!p2 $0x0  }
0x1d: {  	s5 =	simm.s32 @p1 $0x1;
	p0 =	seq.s32 s7, s2  }
0x1e: {  	s7 =	smul.u32 @!p0 $0xF7A, s2;
	p2 =	seq.s32 @!p0 s5, $0x0  }
0x1f: {  	s9 =	smul.u32 $0xF7A, s1;
	s8 =	simm.s32 @!p0 $0x1BF5;
	p2 =	por !p2, p0  }
0x20: {  	[sflag:s8] =	ssyncset.s32 @!p0 $0xFFFFF086;
	s6 =	sadd.s32 @!p0 s3, s7;
	s7 =	simm.s32 @!p0 $0x108  }
0x21: {  	s3 =	sadd.s32 s3, s9;
	s6 =	sadd.s32 @!p0 $0x88, s6;
	s7 =	simm.s32 @p2 $0x1082  }
0x22: {  	[simem:s7], [sflag:s8] =	dma.local @!p0 [hbm:s6], $0xF7A  }
0x23: {  	s9 =	sor.u32 $0xD0000000, s2;
	s6 =	simm.s32 $0x108;
	_ =	swait.ge @!p0 [sflag:s8], $0x0  }
0x24: {  	s3 =	sadd.s32 $0x88, s3;
	s6 =	simm.s32 @!p1 $0x1082;
	[sflag:s4] =	ssyncset.s32 $0xFFFFF086  }
0x25: {  	[simem:s6], [sflag:s4] =	dma.local [hbm:s3], $0xF7A  }
0x26: {  	[smem:$0x3F9F] =	sst s1;
	(tag) =	ssettag s2;
	_ =	strace s9  }
0x27: {  	s1 =	sld [smem:$0x3FAF]  }
0x28: {  	s2 =	sld [smem:$0x3FB0]  }
0x29: {  	s4 =	sld [smem:$0x3FB2]  }
0x2a: {  	p0 =	seq.s32 s5, $0x0;
	s5 =	sld [smem:$0x3FB3]  }
0x2b: {  	s6 =	sld [smem:$0x3FB4]  }
0x2c: {  	s7 =	sld [smem:$0x3FB5]  }
0x2d: {  	s3 =	simm.s32 $0x108;
	s8 =	sld [smem:$0x3FB6]  }
0x2e: {  	s3 =	simm.s32 @!p0 $0x1082;
	s9 =	sld [smem:$0x3FB7]  }
0x2f: {  	lr =	sadd.s32 s0, s3;
	s0 =	sld [smem:$0x3FAE]  }
0x30: {  	s3 =	sld [smem:$0x3FB1]  }
0x31: {  	[smem:$0x3FBA] =	sst s10  }
0x32: {  	s10 =	sld [smem:$0x3FB8];
	_ =	sdelay $0x3  }
0x33: {  	p0 =	seq.s32 s10, $0x1;
	s10 =	sld [smem:$0x3FBA];
	_ =	sdelay $0x3  }
0x34: {  	[smem:$0x3FBA] =	sst s10  }
0x35: {  	s10 =	sld [smem:$0x3FB9];
	_ =	sdelay $0x3  }
0x36: {  	p1 =	seq.s32 s10, $0x1;
	s10 =	sld [smem:$0x3FBA];
	_ =	sdelay $0x3  }
0x37: {  	[smem:$0x3FBA] =	sst s10  }
0x38: {  	s10 =	sld [smem:$0x3FBB]  }
0x39: {  	_ = 	snop;
	(pc) =	sbr.ind lr, $3  }
0x3a: {  	_ = 	snop  }
0x3b: {  	_ = 	snop  }
0x3c: {  	p2 =	seq.s32 s10, $0x1;
	s10 =	sld [smem:$0x3FBA]  }
0x3d: {  	_ =	shalt  }
0x3e: {  	_ =	shalt  }
0x3f: {  	_ =	shalt  }
0x40: {  	_ =	shalt  }
0x41: {  	_ =	shalt  }
0x42: {  	_ =	shalt  }
0x43: {  	_ =	shalt  }
0x44: {  	_ =	shalt  }
0x45: {  	_ =	shalt  }
0x46: {  	_ =	shalt  }
0x47: {  	_ =	shalt  }
0x48: {  	_ =	shalt  }
0x49: {  	_ =	shalt  }
0x4a: {  	_ =	shalt  }
0x4b: {  	_ =	shalt  }
0x4c: {  	_ =	shalt  }
0x4d: {  	_ =	shalt  }
0x4e: {  	_ =	shalt  }
0x4f: {  	_ =	shalt  }
0x50: {  	_ =	shalt  }
0x51: {  	_ =	shalt  }
0x52: {  	_ =	shalt  }
0x53: {  	_ =	shalt  }
0x54: {  	_ =	shalt  }
0x55: {  	_ =	shalt  }
0x56: {  	_ =	shalt  }
0x57: {  	_ =	shalt  }
0x58: {  	_ =	shalt  }
0x59: {  	_ =	shalt  }
0x5a: {  	_ =	shalt  }
0x5b: {  	_ =	shalt  }
0x5c: {  	_ =	shalt  }
0x5d: {  	_ =	shalt  }
0x5e: {  	_ =	shalt  }
0x5f: {  	_ =	shalt  }
0x60: {  	_ =	shalt  }
0x61: {  	_ =	shalt  }
0x62: {  	_ =	shalt  }
0x63: {  	_ =	shalt  }
0x64: {  	_ =	shalt  }
0x65: {  	_ =	shalt  }
0x66: {  	_ =	shalt  }
0x67: {  	_ =	shalt  }
0x68: {  	_ =	shalt  }
0x69: {  	_ =	shalt  }
0x6a: {  	_ =	shalt  }
0x6b: {  	_ =	shalt  }
0x6c: {  	_ =	shalt  }
0x6d: {  	_ =	shalt  }
0x6e: {  	_ =	shalt  }
0x6f: {  	_ =	shalt  }
0x70: {  	_ =	shalt  }
0x71: {  	_ =	shalt  }
0x72: {  	_ =	shalt  }
0x73: {  	_ =	shalt  }
0x74: {  	_ =	shalt  }
0x75: {  	_ =	shalt  }
0x76: {  	_ =	shalt  }
0x77: {  	_ =	shalt  }
0x78: {  	_ =	shalt  }
0x79: {  	_ =	shalt  }
0x7a: {  	_ =	shalt  }
0x7b: {  	_ =	shalt  }
0x7c: {  	_ =	shalt  }
0x7d: {  	_ =	shalt  }
0x7e: {  	_ =	shalt  }
0x7f: {  	_ =	shalt  }
0x80: {  	_ =	shalt  }
0x81: {  	_ =	shalt  }
0x82: {  	_ =	shalt  }
0x83: {  	_ =	shalt  }
0x84: {  	_ =	shalt  }
0x85: {  	_ =	shalt  }
0x86: {  	_ =	shalt  }
0x87: {  	_ =	shalt  }
.Lfunc_end0:
.L_simem_size_0:
called_computation_lowered:
.L_overlay_start_0:
0x88: {  	s2 =	sld [smem:$0x3FD9]  }
0x89: {  	s3 =	sld [smem:$0x3FFE];
	_ =	sdelay $0x1  }
0x8a: {  	s1 =	srdreg.scid  }
0x8b: {  	s0 =	sand.u32 $0x1, s1  }
0x8c: {  	s18 =	sshll.u32 s0, $0xA;
	s2 =	sadd.s32 s3, s2  }
0x8d: {  	s2 =	sadd.s32 s2, s18  }
0x8e: {  	[smem:$0x3FC6] =	sst s2  }
0x8f: {  	_ = 	snop  }
0x90: {  	s2 =	sld [smem:$0x3FC9]  }
0x91: {  	s19 =	sld [smem:$0x3FC8]  }
0x92: {  	s4 =	sld [smem:$0x3FD0];
	(tm) =	ssettm $0x1  }
0x93: {  	s5 =	sld [smem:$0x3FFB];
	_ =	sdelay $0x3  }
0x94: {  	_ =	strace s5  }
0x95: {  	s5 =	sld [smem:$0x3FFC];
	_ =	sdelay $0x3  }
0x96: {  	_ =	strace s5  }
0x97: {  	s5 =	sld [smem:$0x3FFD];
	_ =	sdelay $0x3  }
0x98: {  	_ =	strace s5  }
0x99: {  	_ =	strace $0x8FFFFFFF  }
0x9a: {  	s20 =	sld [smem:$0x3FDB];
	_ =	sdelay $0x1  }
0x9b: {  	s6 =	simm.s32 $_scs_section_size  }
0x9c: {  	s7 =	simm.s32 $_size__tile_overlayer_lowered;
	s8 =	simm.s32 $_tile_overlayer_lowered  }
0x9d: {  	s23 =	simm.s32 $0x1BFF;
	s22 =	sshll.u32 s8, $0x1;
	s5 =	sadd.s32 s6, s20  }
0x9e: {  	s9 =	simm.s32 $0x0;
	s21 =	sshll.u32 s7, $0x1;
	s7 =	sadd.s32 s22, s5  }
0x9f: {  	[timem:s9], [sflag:s23] =	dma.local [hbm:s7], s21  }
0xa0: {  	_ =	swait.ge [sflag:s23], s21  }
0xa1: {  	s6 =	ssub.s32 $0x0, s21;
	[sflag:s23] =	ssyncset.done $0x0  }
0xa2: {  	[sflag:s23] =	ssyncadd.s32 s6;
	_ =	sdelay $0x1  }
0xa3: {  	s24 =	simm.s32 $0x1B8B  }
0xa4: {  	_ =	swait.ge [sflag:s24], $0x1  }
0xa5: {  	[sflag:s24] =	ssyncset.done $0x0  }
0xa6: {  	s25 =	simm.s32 $0x1B8E;
	[sflag:s24] =	ssyncadd.s32 $0xFFFFFFFF  }
0xa7: {  	s26 =	simm.s32 $execute0_lowered;
	[smem:$0x3FD2] =	sst s25  }
0xa8: {  	s6 =	sshll.u32 s26, $0x1;
	_ =	strace $0x80000046;
	[dreg:$0x1] =	wrdreg $0xFFFFFFFF  }
0xa9: {  	s28 =	simm.s32 $_size_execute0_lowered;
	s5 =	sadd.s32 s5, s6;
	[dreg:$0x0] =	wrdreg $0x0  }
0xaa: {  	s6 =	sshll.u32 s28, $0x1;
	[dreg:$0x2] =	wrdreg s5  }
0xab: {  	[dreg:$0x3] =	wrdreg s6  }
0xac: {  	[dreg:$0x4] =	wrdreg $0xC0  }
0xad: {  	_ =	task [dreg:s9], $0x5FFFF  }
0xae: {  	[dreg:$0x1] =	wrdreg $0xFFFFFFFF  }
0xaf: {  	[dreg:$0x0] =	wrdreg $0x60  }
0xb0: {  	[dreg:$0x2] =	wrdreg s19  }
0xb1: {  	[dreg:$0x3] =	wrdreg s2  }
0xb2: {  	[dreg:$0x4] =	wrdreg s4  }
0xb3: {  	[dreg:$0x5] =	wrdreg $0x9  }
0xb4: {  	_ =	task.clear_ibuf [dreg:s9], $0x6FFFF;
	_ =	strace $0x90000046  }
0xb5: {  	s29 =	simm.s32 $0x9;
	_ =	strace $0x80000048  }
0xb6: {  	_ =	swait.ge [sflag:s29], $0x1  }
0xb7: {  	[sflag:s29] =	ssyncadd.s32 $0xFFFFFFFF  }
0xb8: {  	_ =	strace $0x90000048  }
0xb9: {  	_ =	sfence  }
0xba: {  	s30 =	sld [smem:$0x0];
	_ =	sdelay $0x2  }
0xbb: {  	s31 =	sshll.u32 s1, $0xD;
	s1 =	sshrl.u32 s1, $0x2  }
0xbc: {  	s3 =	sand.u32 $0x4000, s31;
	s1 =	sadd.s32 s1, s30  }
0xbd: {  	s0 =	sor.u32 s3, s0;
	s1 =	sshll.u32 s1, $0x11  }
0xbe: {  	s0 =	sor.u32 s1, s0  }
0xbf: {  	s0 =	sadd.s32 $0x8F2B, s0  }
0xc0: {  	[sflag:s0] =	ssyncadd.remote.s32 $0x1  }
0xc1: {  	_ =	sfence.sel $0xFFFF  }
0xc2: {  	[dreg:$0x0] =	wrdreg $0xFFFFFFFF;
	(pc) =	sbr.abs _section_cstart, $3  }
0xc3: {  	[dreg:$0x1] =	wrdreg $0xFFFFFFFF  }
0xc4: {  	_ =	task.clear_ibuf [dreg:s9], $0x2FFFF;
	_ =	strace $0x9FFFFFFF  }
0xc5: {  	(tm) =	ssettm $0x7FFFFFFF  }
tec
execute0_lowered:
.L_overlay_start_1:
0x0: {  	(tag) =	ssettag $0x1  }
0x1: {  	s8 =	rddreg [dreg:$0x0]  }
0x2: {  	s1 =	rddreg [dreg:$0x1]  }
0x3: {  	s10 =	rddreg [dreg:$0x2]  }
0x4: {  	s0 =	rddreg [dreg:$0x3];
	s3 =	simm.s32 $0x0  }
0x5: {  	s4 =	srdreg.scid;
	s2 =	stileid.u32;
	s18 =	simm.s32 $0x1  }
0x6: {  	s19 =	simm.s32 $0x2;
	s20 =	simm.s32 $0x1C700;
	s21 =	simm.s32 $0x1D700  }
0x7: {  	s22 =	simm.s32 $0x3;
	s23 =	simm.s32 $0x4;
	s24 =	simm.s32 $0x0  }
0x8: {  	[smem:$0x7FF] =	sst s3;
	s4 =	sand.u32 $0x1, s4;
	s5 =	sshll.u32 s2, $0x9  }
0x9: {  	s6 =	sshrl.u32 s2, $0x1;
	s30 =	sadd.s32 $0x1000, s10;
	s15 =	sadd.s32 $0x2000, s10  }
0xa: {  	s17 =	sadd.s32 $0x3000, s10;
	s7 =	sshll.u32 s4, $0x8;
	s5 =	sand.u32 $0x200, s5  }
0xb: {  	s9 =	smul.u32 $0xC3800, s6;
	_ =	strace $0x80000047;
	s4 =	ssub.s32 $0x2, s4  }
0xc: {  	s11 =	sshll.u32 s6, $0x11;
	s7 =	sor.u32 s7, s5;
	s12 =	sshrl.u32 s4, $0x1  }
0xd: {  	s5 =	sor.u32 s9, s7;
	s6 =	sor.u32 s11, s7;
	s14 =	ssub.s32 s4, s12  }
0xe: {  	s16 =	sor.u32 $0x80, s7;
	s5 =	sshrl.u32 s5, $0x3;
	s13 =	sshrl.u32 s6, $0x3  }
0xf: {  	s9 =	sor.u32 s9, s16;
	s11 =	sor.u32 s11, s16;
	s14 =	smax.u32 s14, $0x1  }
0x10: {  	s16 =	simm.s32 $0x80;
	s4 =	sadd.s32 s8, s5;
	s5 =	sadd.s32 s10, s13  }
0x11: {  	s6 =	sadd.s32 s13, s30;
	s7 =	sadd.s32 s13, s15;
	s9 =	sshrl.u32 s9, $0x3  }
0x12: {  	s31 =	sshrl.u32 s11, $0x3;
	s8 =	sadd.s32 s8, s9;
	s9 =	sadd.s32 s13, s17  }
0x13: {  	s10 =	sadd.s32 s10, s31;
	s11 =	sadd.s32 s31, s30;
	s12 =	sadd.s32 s31, s15  }
0x14: {  	s13 =	sadd.s32 s31, s17;
	s15 =	simm.s32 $0x18700;
	s17 =	simm.s32 $0x400  }
.LBB2_1:
0x15: {  	[tilespmem:s15], [sflag:$0x1] =	stream.linear.gather [hbm4b:s1+s3], $0x4000, $0x38;
	[tilespmem:$0x1E700] =	vst v63  }
0x16: {  	_ = 	snop  }
0x17: {  	[tilespmem:s3], [sflag:$0x2] =	stream.strided.gather [hbm4b:s4+s16], $0x18700, s17, s16, $0x38;
	[tilespmem:$0x1E700] =	vst v63  }
0x18: {  	_ =	swait.ge [sflag:s18], $0x4000  }
0x19: {  	[sflag:s18] =	ssyncset.done $0x0  }
0x1a: {  	[sflag:s18] =	ssyncadd.s32 $0xFFFFC000  }
0x1b: {  	_ =	swait.ge [sflag:s19], $0x18700  }
0x1c: {  	[sflag:s19] =	ssyncset.done $0x0  }
0x1d: {  	s25 =	simm.s32 $0x18740;
	[sflag:s19] =	ssyncadd.s32 $0xFFFE7900  }
0x1e: {  	v0 =	vld [tilespmem:s25+$0x30]  }
0x1f: {  	v1 =	vld [tilespmem:s25+$0xFFFFFFD0]  }
0x20: {  	v2 =	vld [tilespmem:s25+$0xFFFFFFE0]  }
0x21: {  	v3 =	vld [tilespmem:s25+$0xFFFFFFF0]  }
0x22: {  	v4 =	vld [tilespmem:s25+$0x0]  }
0x23: {  	v6 =	vld [tilespmem:s25+$0x10]  }
0x24: {  	v7 =	vld [tilespmem:s25+$0x20]  }
0x25: {  	v8 =	vld [tilespmem:s25+$0xFFFFFFC0]  }
0x26: {  	v9 =	vld.idx.msk [tilespmem:v0+s3+$0x0], $0xffff  }
0x27: {  	v10 =	vld.idx.msk [tilespmem:v1+s3+$0x0], $0xffff  }
0x28: {  	v5 =	vld.idx.msk [tilespmem:v2+s3+$0x0], $0xffff  }
0x29: {  	v3 =	vld.idx.msk [tilespmem:v3+s3+$0x0], $0xffff  }
0x2a: {  	v0 =	vld.idx.msk [tilespmem:v4+s3+$0x0], $0xffff  }
0x2b: {  	s25 =	simm.s32 $0x1C740;
	v1 =	vld.idx.msk [tilespmem:v6+s3+$0x0], $0xffff  }
0x2c: {  	v2 =	vld.idx.msk [tilespmem:v7+s3+$0x0], $0xffff;
	[tilespmem:s25+$0x30] =	vst v9  }
0x2d: {  	s26 =	simm.s32 $0x0;
	s28 =	simm.s32 $0x187C0;
	v4 =	vld.idx.msk [tilespmem:v8+s3+$0x0], $0xffff;
	[tilespmem:s25+$0xFFFFFFD0] =	vst v10  }
.LBB2_2:
0x2e: {  	v6 =	vld [tilespmem:s28+$0x30];
	s26 =	sadd.s32 $0x80, s26;
	[tilespmem:s25+$0xFFFFFFE0] =	vst v5  }
0x2f: {  	v5 =	vld [tilespmem:s28+$0xFFFFFFD0];
	p0 =	slt.u32 s26, $0xF80;
	[tilespmem:s25+$0xFFFFFFF0] =	vst v3  }
0x30: {  	v3 =	vld [tilespmem:s28+$0xFFFFFFE0];
	[tilespmem:s25+$0x0] =	vst v0  }
0x31: {  	v0 =	vld [tilespmem:s28+$0xFFFFFFF0];
	[tilespmem:s25+$0x10] =	vst v1  }
0x32: {  	v1 =	vld [tilespmem:s28+$0x0];
	[tilespmem:s25+$0x20] =	vst v2  }
0x33: {  	v2 =	vld [tilespmem:s28+$0x10];
	[tilespmem:s25+$0xFFFFFFC0] =	vst v4  }
0x34: {  	v4 =	vld [tilespmem:s28+$0x20]  }
0x35: {  	v7 =	vld [tilespmem:s28+$0xFFFFFFC0]  }
0x36: {  	v6 =	vld.idx.msk [tilespmem:v6+s3+$0x0], $0xffff  }
0x37: {  	v8 =	vld.idx.msk [tilespmem:v5+s3+$0x0], $0xffff  }
0x38: {  	v5 =	vld.idx.msk [tilespmem:v3+s3+$0x0], $0xffff  }
.Ltmp0:
0x39: {  	v3 =	vld.idx.msk [tilespmem:v0+s3+$0x0], $0xffff;
	(pc) =	sbr.rel @p0 .LBB2_2-.Ltmp0, $4  }
0x3a: {  	v0 =	vld.idx.msk [tilespmem:v1+s3+$0x0], $0xffff  }
0x3b: {  	s25 =	sadd.s32 $0x80, s25;
	v1 =	vld.idx.msk [tilespmem:v2+s3+$0x0], $0xffff  }
0x3c: {  	v2 =	vld.idx.msk [tilespmem:v4+s3+$0x0], $0xffff;
	[tilespmem:s25+$0x30] =	vst v6  }
0x3d: {  	s28 =	sadd.s32 $0x80, s28;
	v4 =	vld.idx.msk [tilespmem:v7+s3+$0x0], $0xffff;
	[tilespmem:s25+$0xFFFFFFD0] =	vst v8  }
0x3e: {  	[tilespmem:s25+$0xFFFFFFE0] =	vst v5  }
0x3f: {  	[tilespmem:s25+$0xFFFFFFF0] =	vst v3  }
0x40: {  	[tilespmem:s25+$0x0] =	vst v0  }
0x41: {  	[tilespmem:s25+$0x10] =	vst v1  }
0x42: {  	[tilespmem:s25+$0x20] =	vst v2  }
0x43: {  	s31 =	simm.s32 $0x19770;
	[tilespmem:s25+$0xFFFFFFC0] =	vst v4  }
0x44: {  	[hbm4b:s5+s16] =	stream.strided.scatter [tilespmem:s20], [sflag:$0x3], $0x1000, s17, s16, $0x38;
	[tilespmem:$0x1E700] =	vst v63  }
0x45: {  	v0 =	vld [tilespmem:s31+$0x0]  }
0x46: {  	v1 =	vld [tilespmem:s31+$0xFFFFFFA0]  }
0x47: {  	v2 =	vld [tilespmem:s31+$0xFFFFFFB0]  }
0x48: {  	v3 =	vld [tilespmem:s31+$0xFFFFFFC0]  }
0x49: {  	v4 =	vld [tilespmem:s31+$0xFFFFFFD0]  }
0x4a: {  	v6 =	vld [tilespmem:s31+$0xFFFFFFE0]  }
0x4b: {  	v7 =	vld [tilespmem:s31+$0xFFFFFFF0]  }
0x4c: {  	v8 =	vld [tilespmem:s31+$0xFFFFFF90]  }
0x4d: {  	v9 =	vld.idx.msk [tilespmem:v0+s3+$0x0], $0xffff  }
0x4e: {  	v10 =	vld.idx.msk [tilespmem:v1+s3+$0x0], $0xffff  }
0x4f: {  	v5 =	vld.idx.msk [tilespmem:v2+s3+$0x0], $0xffff  }
0x50: {  	v3 =	vld.idx.msk [tilespmem:v3+s3+$0x0], $0xffff  }
0x51: {  	v0 =	vld.idx.msk [tilespmem:v4+s3+$0x0], $0xffff  }
0x52: {  	s25 =	simm.s32 $0x1D740;
	v1 =	vld.idx.msk [tilespmem:v6+s3+$0x0], $0xffff  }
0x53: {  	v2 =	vld.idx.msk [tilespmem:v7+s3+$0x0], $0xffff;
	[tilespmem:s25+$0x30] =	vst v9  }
0x54: {  	s26 =	simm.s32 $0x0;
	s28 =	simm.s32 $0x197F0;
	v4 =	vld.idx.msk [tilespmem:v8+s3+$0x0], $0xffff;
	[tilespmem:s25+$0xFFFFFFD0] =	vst v10  }
.LBB2_4:
0x55: {  	v6 =	vld [tilespmem:s28+$0x0];
	s26 =	sadd.s32 $0x80, s26;
	[tilespmem:s25+$0xFFFFFFE0] =	vst v5  }
0x56: {  	v5 =	vld [tilespmem:s28+$0xFFFFFFA0];
	p0 =	slt.u32 s26, $0xF80;
	[tilespmem:s25+$0xFFFFFFF0] =	vst v3  }
0x57: {  	v3 =	vld [tilespmem:s28+$0xFFFFFFB0];
	[tilespmem:s25+$0x0] =	vst v0  }
0x58: {  	v0 =	vld [tilespmem:s28+$0xFFFFFFC0];
	[tilespmem:s25+$0x10] =	vst v1  }
0x59: {  	v1 =	vld [tilespmem:s28+$0xFFFFFFD0];
	[tilespmem:s25+$0x20] =	vst v2  }
0x5a: {  	v2 =	vld [tilespmem:s28+$0xFFFFFFE0];
	[tilespmem:s25+$0xFFFFFFC0] =	vst v4  }
0x5b: {  	v4 =	vld [tilespmem:s28+$0xFFFFFFF0]  }
0x5c: {  	v7 =	vld [tilespmem:s28+$0xFFFFFF90]  }
0x5d: {  	v6 =	vld.idx.msk [tilespmem:v6+s3+$0x0], $0xffff  }
0x5e: {  	v8 =	vld.idx.msk [tilespmem:v5+s3+$0x0], $0xffff  }
0x5f: {  	v5 =	vld.idx.msk [tilespmem:v3+s3+$0x0], $0xffff  }
.Ltmp1:
0x60: {  	v3 =	vld.idx.msk [tilespmem:v0+s3+$0x0], $0xffff;
	(pc) =	sbr.rel @p0 .LBB2_4-.Ltmp1, $4  }
0x61: {  	v0 =	vld.idx.msk [tilespmem:v1+s3+$0x0], $0xffff  }
0x62: {  	s25 =	sadd.s32 $0x80, s25;
	v1 =	vld.idx.msk [tilespmem:v2+s3+$0x0], $0xffff  }
0x63: {  	v2 =	vld.idx.msk [tilespmem:v4+s3+$0x0], $0xffff;
	[tilespmem:s25+$0x30] =	vst v6  }
0x64: {  	s28 =	sadd.s32 $0x80, s28;
	v4 =	vld.idx.msk [tilespmem:v7+s3+$0x0], $0xffff;
	[tilespmem:s25+$0xFFFFFFD0] =	vst v8  }
0x65: {  	[tilespmem:s25+$0xFFFFFFE0] =	vst v5  }
0x66: {  	[tilespmem:s25+$0xFFFFFFF0] =	vst v3  }
0x67: {  	[tilespmem:s25+$0x0] =	vst v0  }
0x68: {  	[tilespmem:s25+$0x10] =	vst v1  }
0x69: {  	[tilespmem:s25+$0x20] =	vst v2  }
0x6a: {  	[tilespmem:s25+$0xFFFFFFC0] =	vst v4  }
0x6b: {  	[hbm4b:s6+s16] =	stream.strided.scatter [tilespmem:s21], [sflag:$0x4], $0x1000, s17, s16, $0x38;
	[tilespmem:$0x1E700] =	vst v63  }
0x6c: {  	_ =	swait.ge [sflag:s22], $0x1000  }
0x6d: {  	[sflag:s22] =	ssyncset.done $0x0  }
0x6e: {  	s31 =	simm.s32 $0x1A770;
	[sflag:s22] =	ssyncadd.s32 $0xFFFFF000  }
0x6f: {  	v0 =	vld [tilespmem:s31+$0x0]  }
0x70: {  	v1 =	vld [tilespmem:s31+$0xFFFFFFA0]  }
0x71: {  	v2 =	vld [tilespmem:s31+$0xFFFFFFB0]  }
0x72: {  	v3 =	vld [tilespmem:s31+$0xFFFFFFC0]  }
0x73: {  	v4 =	vld [tilespmem:s31+$0xFFFFFFD0]  }
0x74: {  	v6 =	vld [tilespmem:s31+$0xFFFFFFE0]  }
0x75: {  	v7 =	vld [tilespmem:s31+$0xFFFFFFF0]  }
0x76: {  	v8 =	vld [tilespmem:s31+$0xFFFFFF90]  }
0x77: {  	v9 =	vld.idx.msk [tilespmem:v0+s3+$0x0], $0xffff  }
0x78: {  	v10 =	vld.idx.msk [tilespmem:v1+s3+$0x0], $0xffff  }
0x79: {  	v5 =	vld.idx.msk [tilespmem:v2+s3+$0x0], $0xffff  }
0x7a: {  	v3 =	vld.idx.msk [tilespmem:v3+s3+$0x0], $0xffff  }
0x7b: {  	v0 =	vld.idx.msk [tilespmem:v4+s3+$0x0], $0xffff  }
0x7c: {  	s25 =	simm.s32 $0x1C740;
	v1 =	vld.idx.msk [tilespmem:v6+s3+$0x0], $0xffff  }
0x7d: {  	v2 =	vld.idx.msk [tilespmem:v7+s3+$0x0], $0xffff;
	[tilespmem:s25+$0x30] =	vst v9  }
0x7e: {  	s26 =	simm.s32 $0x0;
	s28 =	simm.s32 $0x1A7F0;
	v4 =	vld.idx.msk [tilespmem:v8+s3+$0x0], $0xffff;
	[tilespmem:s25+$0xFFFFFFD0] =	vst v10  }
.LBB2_6:
0x7f: {  	v6 =	vld [tilespmem:s28+$0x0];
	s26 =	sadd.s32 $0x80, s26;
	[tilespmem:s25+$0xFFFFFFE0] =	vst v5  }
0x80: {  	v5 =	vld [tilespmem:s28+$0xFFFFFFA0];
	p0 =	slt.u32 s26, $0xF80;
	[tilespmem:s25+$0xFFFFFFF0] =	vst v3  }
0x81: {  	v3 =	vld [tilespmem:s28+$0xFFFFFFB0];
	[tilespmem:s25+$0x0] =	vst v0  }
0x82: {  	v0 =	vld [tilespmem:s28+$0xFFFFFFC0];
	[tilespmem:s25+$0x10] =	vst v1  }
0x83: {  	v1 =	vld [tilespmem:s28+$0xFFFFFFD0];
	[tilespmem:s25+$0x20] =	vst v2  }
0x84: {  	v2 =	vld [tilespmem:s28+$0xFFFFFFE0];
	[tilespmem:s25+$0xFFFFFFC0] =	vst v4  }
0x85: {  	v4 =	vld [tilespmem:s28+$0xFFFFFFF0]  }
0x86: {  	v7 =	vld [tilespmem:s28+$0xFFFFFF90]  }
0x87: {  	v6 =	vld.idx.msk [tilespmem:v6+s3+$0x0], $0xffff  }
0x88: {  	v8 =	vld.idx.msk [tilespmem:v5+s3+$0x0], $0xffff  }
0x89: {  	v5 =	vld.idx.msk [tilespmem:v3+s3+$0x0], $0xffff  }
.Ltmp2:
0x8a: {  	v3 =	vld.idx.msk [tilespmem:v0+s3+$0x0], $0xffff;
	(pc) =	sbr.rel @p0 .LBB2_6-.Ltmp2, $4  }
0x8b: {  	v0 =	vld.idx.msk [tilespmem:v1+s3+$0x0], $0xffff  }
0x8c: {  	s25 =	sadd.s32 $0x80, s25;
	v1 =	vld.idx.msk [tilespmem:v2+s3+$0x0], $0xffff  }
0x8d: {  	v2 =	vld.idx.msk [tilespmem:v4+s3+$0x0], $0xffff;
	[tilespmem:s25+$0x30] =	vst v6  }
0x8e: {  	s28 =	sadd.s32 $0x80, s28;
	v4 =	vld.idx.msk [tilespmem:v7+s3+$0x0], $0xffff;
	[tilespmem:s25+$0xFFFFFFD0] =	vst v8  }
0x8f: {  	[tilespmem:s25+$0xFFFFFFE0] =	vst v5  }
0x90: {  	[tilespmem:s25+$0xFFFFFFF0] =	vst v3  }
0x91: {  	[tilespmem:s25+$0x0] =	vst v0  }
0x92: {  	[tilespmem:s25+$0x10] =	vst v1  }
0x93: {  	[tilespmem:s25+$0x20] =	vst v2  }
0x94: {  	[tilespmem:s25+$0xFFFFFFC0] =	vst v4  }
0x95: {  	[hbm4b:s7+s16] =	stream.strided.scatter [tilespmem:s20], [sflag:$0x3], $0x1000, s17, s16, $0x38;
	[tilespmem:$0x1E700] =	vst v63  }
0x96: {  	_ =	swait.ge [sflag:s23], $0x1000  }
0x97: {  	[sflag:s23] =	ssyncset.done $0x0  }
0x98: {  	s31 =	simm.s32 $0x1B770;
	[sflag:s23] =	ssyncadd.s32 $0xFFFFF000  }
0x99: {  	v0 =	vld [tilespmem:s31+$0x0]  }
0x9a: {  	v1 =	vld [tilespmem:s31+$0xFFFFFFA0]  }
0x9b: {  	v2 =	vld [tilespmem:s31+$0xFFFFFFB0]  }
0x9c: {  	v3 =	vld [tilespmem:s31+$0xFFFFFFC0]  }
0x9d: {  	v4 =	vld [tilespmem:s31+$0xFFFFFFD0]  }
0x9e: {  	v6 =	vld [tilespmem:s31+$0xFFFFFFE0]  }
0x9f: {  	v7 =	vld [tilespmem:s31+$0xFFFFFFF0]  }
0xa0: {  	v8 =	vld [tilespmem:s31+$0xFFFFFF90]  }
0xa1: {  	v9 =	vld.idx.msk [tilespmem:v0+s3+$0x0], $0xffff  }
0xa2: {  	v10 =	vld.idx.msk [tilespmem:v1+s3+$0x0], $0xffff  }
0xa3: {  	v5 =	vld.idx.msk [tilespmem:v2+s3+$0x0], $0xffff  }
0xa4: {  	v3 =	vld.idx.msk [tilespmem:v3+s3+$0x0], $0xffff  }
0xa5: {  	v0 =	vld.idx.msk [tilespmem:v4+s3+$0x0], $0xffff  }
0xa6: {  	s25 =	simm.s32 $0x1D740;
	v1 =	vld.idx.msk [tilespmem:v6+s3+$0x0], $0xffff  }
0xa7: {  	v2 =	vld.idx.msk [tilespmem:v7+s3+$0x0], $0xffff;
	[tilespmem:s25+$0x30] =	vst v9  }
0xa8: {  	s26 =	simm.s32 $0x0;
	s28 =	simm.s32 $0x1B7F0;
	v4 =	vld.idx.msk [tilespmem:v8+s3+$0x0], $0xffff;
	[tilespmem:s25+$0xFFFFFFD0] =	vst v10  }
.LBB2_8:
0xa9: {  	v6 =	vld [tilespmem:s28+$0x0];
	s26 =	sadd.s32 $0x80, s26;
	[tilespmem:s25+$0xFFFFFFE0] =	vst v5  }
0xaa: {  	v5 =	vld [tilespmem:s28+$0xFFFFFFA0];
	p0 =	slt.u32 s26, $0xF80;
	[tilespmem:s25+$0xFFFFFFF0] =	vst v3  }
0xab: {  	v3 =	vld [tilespmem:s28+$0xFFFFFFB0];
	[tilespmem:s25+$0x0] =	vst v0  }
0xac: {  	v0 =	vld [tilespmem:s28+$0xFFFFFFC0];
	[tilespmem:s25+$0x10] =	vst v1  }
0xad: {  	v1 =	vld [tilespmem:s28+$0xFFFFFFD0];
	[tilespmem:s25+$0x20] =	vst v2  }
0xae: {  	v2 =	vld [tilespmem:s28+$0xFFFFFFE0];
	[tilespmem:s25+$0xFFFFFFC0] =	vst v4  }
0xaf: {  	v4 =	vld [tilespmem:s28+$0xFFFFFFF0]  }
0xb0: {  	v7 =	vld [tilespmem:s28+$0xFFFFFF90]  }
0xb1: {  	v6 =	vld.idx.msk [tilespmem:v6+s3+$0x0], $0xffff  }
0xb2: {  	v8 =	vld.idx.msk [tilespmem:v5+s3+$0x0], $0xffff  }
0xb3: {  	v5 =	vld.idx.msk [tilespmem:v3+s3+$0x0], $0xffff  }
.Ltmp3:
0xb4: {  	v3 =	vld.idx.msk [tilespmem:v0+s3+$0x0], $0xffff;
	(pc) =	sbr.rel @p0 .LBB2_8-.Ltmp3, $4  }
0xb5: {  	v0 =	vld.idx.msk [tilespmem:v1+s3+$0x0], $0xffff  }
0xb6: {  	s25 =	sadd.s32 $0x80, s25;
	v1 =	vld.idx.msk [tilespmem:v2+s3+$0x0], $0xffff  }
0xb7: {  	v2 =	vld.idx.msk [tilespmem:v4+s3+$0x0], $0xffff;
	[tilespmem:s25+$0x30] =	vst v6  }
0xb8: {  	s28 =	sadd.s32 $0x80, s28;
	v4 =	vld.idx.msk [tilespmem:v7+s3+$0x0], $0xffff;
	[tilespmem:s25+$0xFFFFFFD0] =	vst v8  }
0xb9: {  	[tilespmem:s25+$0xFFFFFFE0] =	vst v5  }
0xba: {  	[tilespmem:s25+$0xFFFFFFF0] =	vst v3  }
0xbb: {  	[tilespmem:s25+$0x0] =	vst v0  }
0xbc: {  	[tilespmem:s25+$0x10] =	vst v1  }
0xbd: {  	[tilespmem:s25+$0x20] =	vst v2  }
0xbe: {  	[tilespmem:s25+$0xFFFFFFC0] =	vst v4  }
0xbf: {  	[tilespmem:s3], [sflag:$0x2] =	stream.strided.gather [hbm4b:s8+s16], $0x18700, s17, s16, $0x38;
	[tilespmem:$0x1E700] =	vst v63  }
0xc0: {  	_ = 	snop  }
0xc1: {  	[hbm4b:s9+s16] =	stream.strided.scatter [tilespmem:s21], [sflag:$0x4], $0x1000, s17, s16, $0x38;
	[tilespmem:$0x1E700] =	vst v63  }
0xc2: {  	_ =	swait.ge [sflag:s19], $0x18700  }
0xc3: {  	[sflag:s19] =	ssyncset.done $0x0  }
0xc4: {  	[sflag:s19] =	ssyncadd.s32 $0xFFFE7900  }
0xc5: {  	_ =	swait.ge [sflag:s22], $0x1000  }
0xc6: {  	[sflag:s22] =	ssyncset.done $0x0  }
0xc7: {  	s31 =	simm.s32 $0x18740;
	[sflag:s22] =	ssyncadd.s32 $0xFFFFF000  }
0xc8: {  	v0 =	vld [tilespmem:s31+$0x30]  }
0xc9: {  	v1 =	vld [tilespmem:s31+$0xFFFFFFD0]  }
0xca: {  	v2 =	vld [tilespmem:s31+$0xFFFFFFE0]  }
0xcb: {  	v3 =	vld [tilespmem:s31+$0xFFFFFFF0]  }
0xcc: {  	v4 =	vld [tilespmem:s31+$0x0]  }
0xcd: {  	v6 =	vld [tilespmem:s31+$0x10]  }
0xce: {  	v7 =	vld [tilespmem:s31+$0x20]  }
0xcf: {  	v8 =	vld [tilespmem:s31+$0xFFFFFFC0]  }
0xd0: {  	v9 =	vld.idx.msk [tilespmem:v0+s3+$0x0], $0xffff  }
0xd1: {  	v10 =	vld.idx.msk [tilespmem:v1+s3+$0x0], $0xffff  }
0xd2: {  	v5 =	vld.idx.msk [tilespmem:v2+s3+$0x0], $0xffff  }
0xd3: {  	v3 =	vld.idx.msk [tilespmem:v3+s3+$0x0], $0xffff  }
0xd4: {  	v0 =	vld.idx.msk [tilespmem:v4+s3+$0x0], $0xffff  }
0xd5: {  	s25 =	simm.s32 $0x1C740;
	v1 =	vld.idx.msk [tilespmem:v6+s3+$0x0], $0xffff  }
0xd6: {  	v2 =	vld.idx.msk [tilespmem:v7+s3+$0x0], $0xffff;
	[tilespmem:s25+$0x30] =	vst v9  }
0xd7: {  	s26 =	simm.s32 $0x0;
	s28 =	simm.s32 $0x187C0;
	v4 =	vld.idx.msk [tilespmem:v8+s3+$0x0], $0xffff;
	[tilespmem:s25+$0xFFFFFFD0] =	vst v10  }
.LBB2_10:
0xd8: {  	v6 =	vld [tilespmem:s28+$0x30];
	s26 =	sadd.s32 $0x80, s26;
	[tilespmem:s25+$0xFFFFFFE0] =	vst v5  }
0xd9: {  	v5 =	vld [tilespmem:s28+$0xFFFFFFD0];
	p0 =	slt.u32 s26, $0xF80;
	[tilespmem:s25+$0xFFFFFFF0] =	vst v3  }
0xda: {  	v3 =	vld [tilespmem:s28+$0xFFFFFFE0];
	[tilespmem:s25+$0x0] =	vst v0  }
0xdb: {  	v0 =	vld [tilespmem:s28+$0xFFFFFFF0];
	[tilespmem:s25+$0x10] =	vst v1  }
0xdc: {  	v1 =	vld [tilespmem:s28+$0x0];
	[tilespmem:s25+$0x20] =	vst v2  }
0xdd: {  	v2 =	vld [tilespmem:s28+$0x10];
	[tilespmem:s25+$0xFFFFFFC0] =	vst v4  }
0xde: {  	v4 =	vld [tilespmem:s28+$0x20]  }
0xdf: {  	v7 =	vld [tilespmem:s28+$0xFFFFFFC0]  }
0xe0: {  	v6 =	vld.idx.msk [tilespmem:v6+s3+$0x0], $0xffff  }
0xe1: {  	v8 =	vld.idx.msk [tilespmem:v5+s3+$0x0], $0xffff  }
0xe2: {  	v5 =	vld.idx.msk [tilespmem:v3+s3+$0x0], $0xffff  }
.Ltmp4:
0xe3: {  	v3 =	vld.idx.msk [tilespmem:v0+s3+$0x0], $0xffff;
	(pc) =	sbr.rel @p0 .LBB2_10-.Ltmp4, $4  }
0xe4: {  	v0 =	vld.idx.msk [tilespmem:v1+s3+$0x0], $0xffff  }
0xe5: {  	s25 =	sadd.s32 $0x80, s25;
	v1 =	vld.idx.msk [tilespmem:v2+s3+$0x0], $0xffff  }
0xe6: {  	v2 =	vld.idx.msk [tilespmem:v4+s3+$0x0], $0xffff;
	[tilespmem:s25+$0x30] =	vst v6  }
0xe7: {  	s28 =	sadd.s32 $0x80, s28;
	v4 =	vld.idx.msk [tilespmem:v7+s3+$0x0], $0xffff;
	[tilespmem:s25+$0xFFFFFFD0] =	vst v8  }
0xe8: {  	[tilespmem:s25+$0xFFFFFFE0] =	vst v5  }
0xe9: {  	[tilespmem:s25+$0xFFFFFFF0] =	vst v3  }
0xea: {  	[tilespmem:s25+$0x0] =	vst v0  }
0xeb: {  	[tilespmem:s25+$0x10] =	vst v1  }
0xec: {  	[tilespmem:s25+$0x20] =	vst v2  }
0xed: {  	[tilespmem:s25+$0xFFFFFFC0] =	vst v4  }
0xee: {  	[hbm4b:s10+s16] =	stream.strided.scatter [tilespmem:s20], [sflag:$0x3], $0x1000, s17, s16, $0x38;
	[tilespmem:$0x1E700] =	vst v63  }
0xef: {  	_ =	swait.ge [sflag:s23], $0x1000  }
0xf0: {  	[sflag:s23] =	ssyncset.done $0x0  }
0xf1: {  	s31 =	simm.s32 $0x19770;
	[sflag:s23] =	ssyncadd.s32 $0xFFFFF000  }
0xf2: {  	v0 =	vld [tilespmem:s31+$0x0]  }
0xf3: {  	v1 =	vld [tilespmem:s31+$0xFFFFFFA0]  }
0xf4: {  	v2 =	vld [tilespmem:s31+$0xFFFFFFB0]  }
0xf5: {  	v3 =	vld [tilespmem:s31+$0xFFFFFFC0]  }
0xf6: {  	v4 =	vld [tilespmem:s31+$0xFFFFFFD0]  }
0xf7: {  	v6 =	vld [tilespmem:s31+$0xFFFFFFE0]  }
0xf8: {  	v7 =	vld [tilespmem:s31+$0xFFFFFFF0]  }
0xf9: {  	v8 =	vld [tilespmem:s31+$0xFFFFFF90]  }
0xfa: {  	v9 =	vld.idx.msk [tilespmem:v0+s3+$0x0], $0xffff  }
0xfb: {  	v10 =	vld.idx.msk [tilespmem:v1+s3+$0x0], $0xffff  }
0xfc: {  	v5 =	vld.idx.msk [tilespmem:v2+s3+$0x0], $0xffff  }
0xfd: {  	v3 =	vld.idx.msk [tilespmem:v3+s3+$0x0], $0xffff  }
0xfe: {  	v0 =	vld.idx.msk [tilespmem:v4+s3+$0x0], $0xffff  }
0xff: {  	s25 =	simm.s32 $0x1D740;
	v1 =	vld.idx.msk [tilespmem:v6+s3+$0x0], $0xffff  }
0x100: {  	v2 =	vld.idx.msk [tilespmem:v7+s3+$0x0], $0xffff;
	[tilespmem:s25+$0x30] =	vst v9  }
0x101: {  	s26 =	simm.s32 $0x0;
	s28 =	simm.s32 $0x197F0;
	v4 =	vld.idx.msk [tilespmem:v8+s3+$0x0], $0xffff;
	[tilespmem:s25+$0xFFFFFFD0] =	vst v10  }
.LBB2_12:
0x102: {  	v6 =	vld [tilespmem:s28+$0x0];
	s26 =	sadd.s32 $0x80, s26;
	[tilespmem:s25+$0xFFFFFFE0] =	vst v5  }
0x103: {  	v5 =	vld [tilespmem:s28+$0xFFFFFFA0];
	p0 =	slt.u32 s26, $0xF80;
	[tilespmem:s25+$0xFFFFFFF0] =	vst v3  }
0x104: {  	v3 =	vld [tilespmem:s28+$0xFFFFFFB0];
	[tilespmem:s25+$0x0] =	vst v0  }
0x105: {  	v0 =	vld [tilespmem:s28+$0xFFFFFFC0];
	[tilespmem:s25+$0x10] =	vst v1  }
0x106: {  	v1 =	vld [tilespmem:s28+$0xFFFFFFD0];
	[tilespmem:s25+$0x20] =	vst v2  }
0x107: {  	v2 =	vld [tilespmem:s28+$0xFFFFFFE0];
	[tilespmem:s25+$0xFFFFFFC0] =	vst v4  }
0x108: {  	v4 =	vld [tilespmem:s28+$0xFFFFFFF0]  }
0x109: {  	v7 =	vld [tilespmem:s28+$0xFFFFFF90]  }
0x10a: {  	v6 =	vld.idx.msk [tilespmem:v6+s3+$0x0], $0xffff  }
0x10b: {  	v8 =	vld.idx.msk [tilespmem:v5+s3+$0x0], $0xffff  }
0x10c: {  	v5 =	vld.idx.msk [tilespmem:v3+s3+$0x0], $0xffff  }
.Ltmp5:
0x10d: {  	v3 =	vld.idx.msk [tilespmem:v0+s3+$0x0], $0xffff;
	(pc) =	sbr.rel @p0 .LBB2_12-.Ltmp5, $4  }
0x10e: {  	v0 =	vld.idx.msk [tilespmem:v1+s3+$0x0], $0xffff  }
0x10f: {  	s25 =	sadd.s32 $0x80, s25;
	v1 =	vld.idx.msk [tilespmem:v2+s3+$0x0], $0xffff  }
0x110: {  	v2 =	vld.idx.msk [tilespmem:v4+s3+$0x0], $0xffff;
	[tilespmem:s25+$0x30] =	vst v6  }
0x111: {  	s28 =	sadd.s32 $0x80, s28;
	v4 =	vld.idx.msk [tilespmem:v7+s3+$0x0], $0xffff;
	[tilespmem:s25+$0xFFFFFFD0] =	vst v8  }
0x112: {  	[tilespmem:s25+$0xFFFFFFE0] =	vst v5  }
0x113: {  	[tilespmem:s25+$0xFFFFFFF0] =	vst v3  }
0x114: {  	[tilespmem:s25+$0x0] =	vst v0  }
0x115: {  	[tilespmem:s25+$0x10] =	vst v1  }
0x116: {  	[tilespmem:s25+$0x20] =	vst v2  }
0x117: {  	[tilespmem:s25+$0xFFFFFFC0] =	vst v4  }
0x118: {  	[hbm4b:s11+s16] =	stream.strided.scatter [tilespmem:s21], [sflag:$0x4], $0x1000, s17, s16, $0x38;
	[tilespmem:$0x1E700] =	vst v63  }
0x119: {  	_ =	swait.ge [sflag:s22], $0x1000  }
0x11a: {  	[sflag:s22] =	ssyncset.done $0x0  }
0x11b: {  	s31 =	simm.s32 $0x1A770;
	[sflag:s22] =	ssyncadd.s32 $0xFFFFF000  }
0x11c: {  	v0 =	vld [tilespmem:s31+$0x0]  }
0x11d: {  	v1 =	vld [tilespmem:s31+$0xFFFFFFA0]  }
0x11e: {  	v2 =	vld [tilespmem:s31+$0xFFFFFFB0]  }
0x11f: {  	v3 =	vld [tilespmem:s31+$0xFFFFFFC0]  }
0x120: {  	v4 =	vld [tilespmem:s31+$0xFFFFFFD0]  }
0x121: {  	v6 =	vld [tilespmem:s31+$0xFFFFFFE0]  }
0x122: {  	v7 =	vld [tilespmem:s31+$0xFFFFFFF0]  }
0x123: {  	v8 =	vld [tilespmem:s31+$0xFFFFFF90]  }
0x124: {  	v9 =	vld.idx.msk [tilespmem:v0+s3+$0x0], $0xffff  }
0x125: {  	v10 =	vld.idx.msk [tilespmem:v1+s3+$0x0], $0xffff  }
0x126: {  	v5 =	vld.idx.msk [tilespmem:v2+s3+$0x0], $0xffff  }
0x127: {  	v3 =	vld.idx.msk [tilespmem:v3+s3+$0x0], $0xffff  }
0x128: {  	v0 =	vld.idx.msk [tilespmem:v4+s3+$0x0], $0xffff  }
0x129: {  	s25 =	simm.s32 $0x1C740;
	v1 =	vld.idx.msk [tilespmem:v6+s3+$0x0], $0xffff  }
0x12a: {  	v2 =	vld.idx.msk [tilespmem:v7+s3+$0x0], $0xffff;
	[tilespmem:s25+$0x30] =	vst v9  }
0x12b: {  	s26 =	simm.s32 $0x0;
	s28 =	simm.s32 $0x1A7F0;
	v4 =	vld.idx.msk [tilespmem:v8+s3+$0x0], $0xffff;
	[tilespmem:s25+$0xFFFFFFD0] =	vst v10  }
.LBB2_14:
0x12c: {  	v6 =	vld [tilespmem:s28+$0x0];
	s26 =	sadd.s32 $0x80, s26;
	[tilespmem:s25+$0xFFFFFFE0] =	vst v5  }
0x12d: {  	v5 =	vld [tilespmem:s28+$0xFFFFFFA0];
	p0 =	slt.u32 s26, $0xF80;
	[tilespmem:s25+$0xFFFFFFF0] =	vst v3  }
0x12e: {  	v3 =	vld [tilespmem:s28+$0xFFFFFFB0];
	[tilespmem:s25+$0x0] =	vst v0  }
0x12f: {  	v0 =	vld [tilespmem:s28+$0xFFFFFFC0];
	[tilespmem:s25+$0x10] =	vst v1  }
0x130: {  	v1 =	vld [tilespmem:s28+$0xFFFFFFD0];
	[tilespmem:s25+$0x20] =	vst v2  }
0x131: {  	v2 =	vld [tilespmem:s28+$0xFFFFFFE0];
	[tilespmem:s25+$0xFFFFFFC0] =	vst v4  }
0x132: {  	v4 =	vld [tilespmem:s28+$0xFFFFFFF0]  }
0x133: {  	v7 =	vld [tilespmem:s28+$0xFFFFFF90]  }
0x134: {  	v6 =	vld.idx.msk [tilespmem:v6+s3+$0x0], $0xffff  }
0x135: {  	v8 =	vld.idx.msk [tilespmem:v5+s3+$0x0], $0xffff  }
0x136: {  	v5 =	vld.idx.msk [tilespmem:v3+s3+$0x0], $0xffff  }
.Ltmp6:
0x137: {  	v3 =	vld.idx.msk [tilespmem:v0+s3+$0x0], $0xffff;
	(pc) =	sbr.rel @p0 .LBB2_14-.Ltmp6, $4  }
0x138: {  	v0 =	vld.idx.msk [tilespmem:v1+s3+$0x0], $0xffff  }
0x139: {  	s25 =	sadd.s32 $0x80, s25;
	v1 =	vld.idx.msk [tilespmem:v2+s3+$0x0], $0xffff  }
0x13a: {  	v2 =	vld.idx.msk [tilespmem:v4+s3+$0x0], $0xffff;
	[tilespmem:s25+$0x30] =	vst v6  }
0x13b: {  	s28 =	sadd.s32 $0x80, s28;
	v4 =	vld.idx.msk [tilespmem:v7+s3+$0x0], $0xffff;
	[tilespmem:s25+$0xFFFFFFD0] =	vst v8  }
0x13c: {  	[tilespmem:s25+$0xFFFFFFE0] =	vst v5  }
0x13d: {  	[tilespmem:s25+$0xFFFFFFF0] =	vst v3  }
0x13e: {  	[tilespmem:s25+$0x0] =	vst v0  }
0x13f: {  	[tilespmem:s25+$0x10] =	vst v1  }
0x140: {  	[tilespmem:s25+$0x20] =	vst v2  }
0x141: {  	[tilespmem:s25+$0xFFFFFFC0] =	vst v4  }
0x142: {  	[hbm4b:s12+s16] =	stream.strided.scatter [tilespmem:s20], [sflag:$0x3], $0x1000, s17, s16, $0x38;
	[tilespmem:$0x1E700] =	vst v63  }
0x143: {  	_ =	swait.ge [sflag:s23], $0x1000  }
0x144: {  	[sflag:s23] =	ssyncset.done $0x0  }
0x145: {  	s31 =	simm.s32 $0x1B770;
	[sflag:s23] =	ssyncadd.s32 $0xFFFFF000  }
0x146: {  	v0 =	vld [tilespmem:s31+$0x0]  }
0x147: {  	v1 =	vld [tilespmem:s31+$0xFFFFFFA0]  }
0x148: {  	v2 =	vld [tilespmem:s31+$0xFFFFFFB0]  }
0x149: {  	v3 =	vld [tilespmem:s31+$0xFFFFFFC0]  }
0x14a: {  	v4 =	vld [tilespmem:s31+$0xFFFFFFD0]  }
0x14b: {  	v6 =	vld [tilespmem:s31+$0xFFFFFFE0]  }
0x14c: {  	v7 =	vld [tilespmem:s31+$0xFFFFFFF0]  }
0x14d: {  	v8 =	vld [tilespmem:s31+$0xFFFFFF90]  }
0x14e: {  	v9 =	vld.idx.msk [tilespmem:v0+s3+$0x0], $0xffff  }
0x14f: {  	v10 =	vld.idx.msk [tilespmem:v1+s3+$0x0], $0xffff  }
0x150: {  	v5 =	vld.idx.msk [tilespmem:v2+s3+$0x0], $0xffff  }
0x151: {  	v3 =	vld.idx.msk [tilespmem:v3+s3+$0x0], $0xffff  }
0x152: {  	v0 =	vld.idx.msk [tilespmem:v4+s3+$0x0], $0xffff  }
0x153: {  	s25 =	simm.s32 $0x1D740;
	v1 =	vld.idx.msk [tilespmem:v6+s3+$0x0], $0xffff  }
0x154: {  	v2 =	vld.idx.msk [tilespmem:v7+s3+$0x0], $0xffff;
	[tilespmem:s25+$0x30] =	vst v9  }
0x155: {  	s26 =	simm.s32 $0x0;
	s28 =	simm.s32 $0x1B7F0;
	v4 =	vld.idx.msk [tilespmem:v8+s3+$0x0], $0xffff;
	[tilespmem:s25+$0xFFFFFFD0] =	vst v10  }
.LBB2_16:
0x156: {  	v6 =	vld [tilespmem:s28+$0x0];
	s26 =	sadd.s32 $0x80, s26;
	[tilespmem:s25+$0xFFFFFFE0] =	vst v5  }
0x157: {  	v5 =	vld [tilespmem:s28+$0xFFFFFFA0];
	p0 =	slt.u32 s26, $0xF80;
	[tilespmem:s25+$0xFFFFFFF0] =	vst v3  }
0x158: {  	v3 =	vld [tilespmem:s28+$0xFFFFFFB0];
	[tilespmem:s25+$0x0] =	vst v0  }
0x159: {  	v0 =	vld [tilespmem:s28+$0xFFFFFFC0];
	[tilespmem:s25+$0x10] =	vst v1  }
0x15a: {  	v1 =	vld [tilespmem:s28+$0xFFFFFFD0];
	[tilespmem:s25+$0x20] =	vst v2  }
0x15b: {  	v2 =	vld [tilespmem:s28+$0xFFFFFFE0];
	[tilespmem:s25+$0xFFFFFFC0] =	vst v4  }
0x15c: {  	v4 =	vld [tilespmem:s28+$0xFFFFFFF0]  }
0x15d: {  	v7 =	vld [tilespmem:s28+$0xFFFFFF90]  }
0x15e: {  	v6 =	vld.idx.msk [tilespmem:v6+s3+$0x0], $0xffff  }
0x15f: {  	v8 =	vld.idx.msk [tilespmem:v5+s3+$0x0], $0xffff  }
0x160: {  	v5 =	vld.idx.msk [tilespmem:v3+s3+$0x0], $0xffff  }
.Ltmp7:
0x161: {  	v3 =	vld.idx.msk [tilespmem:v0+s3+$0x0], $0xffff;
	(pc) =	sbr.rel @p0 .LBB2_16-.Ltmp7, $4  }
0x162: {  	v0 =	vld.idx.msk [tilespmem:v1+s3+$0x0], $0xffff  }
0x163: {  	s25 =	sadd.s32 $0x80, s25;
	v1 =	vld.idx.msk [tilespmem:v2+s3+$0x0], $0xffff  }
0x164: {  	v2 =	vld.idx.msk [tilespmem:v4+s3+$0x0], $0xffff;
	[tilespmem:s25+$0x30] =	vst v6  }
0x165: {  	s28 =	sadd.s32 $0x80, s28;
	v4 =	vld.idx.msk [tilespmem:v7+s3+$0x0], $0xffff;
	[tilespmem:s25+$0xFFFFFFD0] =	vst v8  }
0x166: {  	[tilespmem:s25+$0xFFFFFFE0] =	vst v5  }
0x167: {  	[tilespmem:s25+$0xFFFFFFF0] =	vst v3  }
0x168: {  	[tilespmem:s25+$0x0] =	vst v0  }
0x169: {  	[tilespmem:s25+$0x10] =	vst v1  }
0x16a: {  	[tilespmem:s25+$0x20] =	vst v2  }
0x16b: {  	s24 =	sadd.s32 $0x1, s24;
	[tilespmem:s25+$0xFFFFFFC0] =	vst v4  }
0x16c: {  	[hbm4b:s13+s16] =	stream.strided.scatter [tilespmem:s21], [sflag:$0x4], $0x1000, s17, s16, $0x38;
	[tilespmem:$0x1E700] =	vst v63  }
0x16d: {  	p0 =	sne.s32 s24, s14;
	_ =	swait.ge [sflag:s22], $0x1000  }
.Ltmp8:
0x16e: {  	[sflag:s22] =	ssyncset.done $0x0;
	(pc) =	sbr.rel @p0 .LBB2_1-.Ltmp8, $4  }
0x16f: {  	[sflag:s22] =	ssyncadd.s32 $0xFFFFF000  }
0x170: {  	_ =	swait.ge [sflag:s23], $0x1000  }
0x171: {  	[sflag:s23] =	ssyncset.done $0x0  }
0x172: {  	[sflag:s23] =	ssyncadd.s32 $0xFFFFF000  }
0x173: {  	_ =	sfence.sel $0x180000  }
0x174: {  	[bflag:$0x0] =	sbarrier.arrive $0xFFFF  }
0x175: {  	p0 =	sne.s32 s2, $0x0;
	_ =	strace $0x90000047  }
0x176: {  	s0 =	sadd.s32 @!p0 $0x100000, s0;
	[bflag:$0x2] =	sbarrier.arrive $0xFFFF  }
0x177: {  	[sflag:s0] =	ssyncadd.tile.s32 @!p0 $0x1;
	_ =	shalt  }
.Lfunc_end2:
_tile_overlayer_lowered:
.L_overlay_start_2:
0x178: {  	(tag) =	ssettag $0x2  }
0x179: {  	s0 =	rddreg [dreg:$0x0];
	s2 =	stileid.u32  }
0x17a: {  	s1 =	rddreg [dreg:$0x1];
	p0 =	sne.s32 s2, $0x0  }
0x17b: {  	s3 =	rddreg [dreg:$0x2];
	[bflag:$0x3] =	sbarrier.arrive $0xFFFF;
	s2 =	simm.s32 @!p0 $0x1C05  }
0x17c: {  	[timem:s3], [sflag:s2] =	dma.local @!p0 [hbm:s0], s1  }
0x17d: {  	s0 =	simm.s32 @!p0 $0x5  }
0x17e: {  	_ =	swait.ge @!p0 [sflag:s0], s1  }
0x17f: {  	s1 =	ssub.s32 @!p0 $0x0, s1;
	[sflag:s0] =	ssyncset.done @!p0 $0x0  }
0x180: {  	[sflag:s0] =	ssyncadd.s32 @!p0 s1  }
0x181: {  	[bflag:$0x3] =	sbarrier.arrive $0xFFFF  }
0x182: {  	_ =	shalt  }

</sc_bundles>
